<compile_context>
chip_gen: v7x
topology: tpu7x:2x2x1
jax: 0.10.2.dev20260603
libtpu: 0.0.44.dev20260713+nightly
codegen_flags: <defaults>
</compile_context>

<pallas_src>
import functools

import jax
import jax.numpy as jnp
from jax import lax
from jax.experimental import pallas as pl
from jax.experimental.pallas import tpu as pltpu
from jax.experimental.pallas import tpu_sc as plsc

_NC = 2
_NS = 16
_NW = _NC * _NS
_D = 32


def _probe(x):
    b, s = x.shape
    cols_per_w = b // _NW

    mesh = plsc.VectorSubcoreMesh(core_axis_name="c", subcore_axis_name="s")

    @functools.partial(
        pl.kernel,
        out_type=jax.ShapeDtypeStruct((s * _D, b), jnp.float32),
        mesh=mesh,
        scratch_types=[
            pltpu.VMEM((50, cols_per_w), jnp.float32),
            pltpu.SemaphoreType.DMA,
        ],
        compiler_params=pltpu.CompilerParams(use_tc_tiling_on_sc=False),
    )
    def body(x_hbm, out_hbm, buf_v, sem):
        wid = lax.axis_index("s") * _NC + lax.axis_index("c")
        base = wid * cols_per_w
        for r in range(0, s * _D, 50):
            pltpu.async_copy(
                buf_v, out_hbm.at[pl.ds(r, 50), pl.ds(base, cols_per_w)], sem
            ).wait()

    return body(x)


def kernel(x, table):
    b, s = x.shape
    out2 = _probe(x.astype(jnp.int32))
    return out2.reshape(s, _D, b).transpose(2, 0, 1)

# --- scband reference (transcript-rebuilt; emitter-appended) ---
"""Pipeline reference for scband-mi-embedding-79113297592450 (READ-ONLY COPY).

The authoritative reference and input builder live on the scoring server;
editing this copy changes nothing except your own understanding.
"""

import jax, jax.numpy as jnp
import numpy as np

VOCAB = 1000000
EMBED_DIM = 32

def setup_inputs(seed: int = 0) -> dict:
    key = jax.random.key(seed)
    k_idx, k_w = jax.random.split(key)
    x = jax.random.randint(k_idx, (16384, 50), 0, VOCAB, dtype=jnp.int64 if jax.config.jax_enable_x64 else jnp.int32)
    # xavier_uniform init for embedding table: bound = sqrt(6/(fan_in+fan_out))
    bound = float(np.sqrt(6.0 / (VOCAB + EMBED_DIM)))
    table = jax.random.uniform(k_w, (VOCAB, EMBED_DIM), dtype=jnp.float32, minval=-bound, maxval=bound)
    return {"x": x, "table": table}

def reference(x, table):
    # MiEmbedding.forward -> CustomEmbedding.forward -> nn.Embedding lookup
    return jnp.take(table, x, axis=0)

if __name__ == "__main__":
    import jax
    _d = setup_inputs()
    print(jax.jit(kernel)(*tuple(_d.values())))

</pallas_src>

<mosaic_0001>
#map = affine_map<(d0, d1) -> (0, 0)>
module attributes {stable_mosaic.version = 14 : i64} {
  func.func @body(%arg0: i32, %arg1: i32, %arg2: memref<16384x50xi32, #tpu.memory_space<hbm>>, %arg3: memref<1600x16384xf32, #tpu.memory_space<hbm>>, %arg4: memref<50x512xf32, #tpu.memory_space<vmem>>, %arg5: memref<!tpu.dma_semaphore, #tpu.memory_space<semaphore_mem>>) attributes {dimension_semantics = [#tpu.dimension_semantics<core_parallel>, #tpu.dimension_semantics<subcore_parallel>], iteration_bounds = array<i64: 2, 16>, scalar_prefetch = 0 : i64, scratch_operands = 2 : i64, tpu.core_type = #tpu.core_type<sc_vector_subcore>, window_params = [{transform_indices = #map}, {transform_indices = #map}]} {
    %mul3A = arith.constant 2 : i32
    %mul3A_0 = arith.muli %arg1, %mul3A : i32
    %add3A = arith.addi %mul3A_0, %arg0 : i32
    %mul3A_1 = arith.constant 512 : i32
    %mul3A_2 = arith.muli %add3A, %mul3A_1 : i32
    %dma_start3A = arith.constant 0 : i32
    %dma_start3A_3 = tpu.memref_slice %arg3[%dma_start3A, %mul3A_2] : memref<1600x16384xf32, #tpu.memory_space<hbm>> -> memref<50x512xf32, #tpu.memory_space<hbm>>
    %dma_start3A_4 = arith.constant 0 : i32
    %dma_start3A_5 = tpu.memref_slice %arg3[%dma_start3A_4, %mul3A_2] : memref<1600x16384xf32, #tpu.memory_space<hbm>> -> memref<50x512xf32, #tpu.memory_space<hbm>>
    tpu.enqueue_dma source(%arg4 : memref<50x512xf32, #tpu.memory_space<vmem>>) target(%dma_start3A_5 : memref<50x512xf32, #tpu.memory_space<hbm>>) target_semaphore(%arg5 : memref<!tpu.dma_semaphore, #tpu.memory_space<semaphore_mem>>)
    %dma_wait3A = arith.constant 0 : i32
    %dma_wait3A_6 = tpu.memref_slice %arg3[%dma_wait3A, %mul3A_2] : memref<1600x16384xf32, #tpu.memory_space<hbm>> -> memref<50x512xf32, #tpu.memory_space<hbm>>
    %dma_wait3A_7 = arith.constant 0 : i32
    %dma_wait3A_8 = tpu.memref_slice %arg3[%dma_wait3A_7, %mul3A_2] : memref<1600x16384xf32, #tpu.memory_space<hbm>> -> memref<50x512xf32, #tpu.memory_space<hbm>>
    tpu.wait_dma2 semaphore(%arg5 : memref<!tpu.dma_semaphore, #tpu.memory_space<semaphore_mem>>) src(%arg4 : memref<50x512xf32, #tpu.memory_space<vmem>>) dst(%dma_wait3A_8 : memref<50x512xf32, #tpu.memory_space<hbm>>)
    %dma_start3A_9 = arith.constant 50 : i32
    %dma_start3A_10 = tpu.memref_slice %arg3[%dma_start3A_9, %mul3A_2] : memref<1600x16384xf32, #tpu.memory_space<hbm>> -> memref<50x512xf32, #tpu.memory_space<hbm>>
    %dma_start3A_11 = arith.constant 50 : i32
    %dma_start3A_12 = tpu.memref_slice %arg3[%dma_start3A_11, %mul3A_2] : memref<1600x16384xf32, #tpu.memory_space<hbm>> -> memref<50x512xf32, #tpu.memory_space<hbm>>
    tpu.enqueue_dma source(%arg4 : memref<50x512xf32, #tpu.memory_space<vmem>>) target(%dma_start3A_12 : memref<50x512xf32, #tpu.memory_space<hbm>>) target_semaphore(%arg5 : memref<!tpu.dma_semaphore, #tpu.memory_space<semaphore_mem>>)
    %dma_wait3A_13 = arith.constant 50 : i32
    %dma_wait3A_14 = tpu.memref_slice %arg3[%dma_wait3A_13, %mul3A_2] : memref<1600x16384xf32, #tpu.memory_space<hbm>> -> memref<50x512xf32, #tpu.memory_space<hbm>>
    %dma_wait3A_15 = arith.constant 50 : i32
    %dma_wait3A_16 = tpu.memref_slice %arg3[%dma_wait3A_15, %mul3A_2] : memref<1600x16384xf32, #tpu.memory_space<hbm>> -> memref<50x512xf32, #tpu.memory_space<hbm>>
    tpu.wait_dma2 semaphore(%arg5 : memref<!tpu.dma_semaphore, #tpu.memory_space<semaphore_mem>>) src(%arg4 : memref<50x512xf32, #tpu.memory_space<vmem>>) dst(%dma_wait3A_16 : memref<50x512xf32, #tpu.memory_space<hbm>>)
    %dma_start3A_17 = arith.constant 100 : i32
    %dma_start3A_18 = tpu.memref_slice %arg3[%dma_start3A_17, %mul3A_2] : memref<1600x16384xf32, #tpu.memory_space<hbm>> -> memref<50x512xf32, #tpu.memory_space<hbm>>
    %dma_start3A_19 = arith.constant 100 : i32
    %dma_start3A_20 = tpu.memref_slice %arg3[%dma_start3A_19, %mul3A_2] : memref<1600x16384xf32, #tpu.memory_space<hbm>> -> memref<50x512xf32, #tpu.memory_space<hbm>>
    tpu.enqueue_dma source(%arg4 : memref<50x512xf32, #tpu.memory_space<vmem>>) target(%dma_start3A_20 : memref<50x512xf32, #tpu.memory_space<hbm>>) target_semaphore(%arg5 : memref<!tpu.dma_semaphore, #tpu.memory_space<semaphore_mem>>)
    %dma_wait3A_21 = arith.constant 100 : i32
    %dma_wait3A_22 = tpu.memref_slice %arg3[%dma_wait3A_21, %mul3A_2] : memref<1600x16384xf32, #tpu.memory_space<hbm>> -> memref<50x512xf32, #tpu.memory_space<hbm>>
    %dma_wait3A_23 = arith.constant 100 : i32
    %dma_wait3A_24 = tpu.memref_slice %arg3[%dma_wait3A_23, %mul3A_2] : memref<1600x16384xf32, #tpu.memory_space<hbm>> -> memref<50x512xf32, #tpu.memory_space<hbm>>
    tpu.wait_dma2 semaphore(%arg5 : memref<!tpu.dma_semaphore, #tpu.memory_space<semaphore_mem>>) src(%arg4 : memref<50x512xf32, #tpu.memory_space<vmem>>) dst(%dma_wait3A_24 : memref<50x512xf32, #tpu.memory_space<hbm>>)
    %dma_start3A_25 = arith.constant 150 : i32
    %dma_start3A_26 = tpu.memref_slice %arg3[%dma_start3A_25, %mul3A_2] : memref<1600x16384xf32, #tpu.memory_space<hbm>> -> memref<50x512xf32, #tpu.memory_space<hbm>>
    %dma_start3A_27 = arith.constant 150 : i32
    %dma_start3A_28 = tpu.memref_slice %arg3[%dma_start3A_27, %mul3A_2] : memref<1600x16384xf32, #tpu.memory_space<hbm>> -> memref<50x512xf32, #tpu.memory_space<hbm>>
    tpu.enqueue_dma source(%arg4 : memref<50x512xf32, #tpu.memory_space<vmem>>) target(%dma_start3A_28 : memref<50x512xf32, #tpu.memory_space<hbm>>) target_semaphore(%arg5 : memref<!tpu.dma_semaphore, #tpu.memory_space<semaphore_mem>>)
    %dma_wait3A_29 = arith.constant 150 : i32
    %dma_wait3A_30 = tpu.memref_slice %arg3[%dma_wait3A_29, %mul3A_2] : memref<1600x16384xf32, #tpu.memory_space<hbm>> -> memref<50x512xf32, #tpu.memory_space<hbm>>
    %dma_wait3A_31 = arith.constant 150 : i32
    %dma_wait3A_32 = tpu.memref_slice %arg3[%dma_wait3A_31, %mul3A_2] : memref<1600x16384xf32, #tpu.memory_space<hbm>> -> memref<50x512xf32, #tpu.memory_space<hbm>>
    tpu.wait_dma2 semaphore(%arg5 : memref<!tpu.dma_semaphore, #tpu.memory_space<semaphore_mem>>) src(%arg4 : memref<50x512xf32, #tpu.memory_space<vmem>>) dst(%dma_wait3A_32 : memref<50x512xf32, #tpu.memory_space<hbm>>)
    %dma_start3A_33 = arith.constant 200 : i32
    %dma_start3A_34 = tpu.memref_slice %arg3[%dma_start3A_33, %mul3A_2] : memref<1600x16384xf32, #tpu.memory_space<hbm>> -> memref<50x512xf32, #tpu.memory_space<hbm>>
    %dma_start3A_35 = arith.constant 200 : i32
    %dma_start3A_36 = tpu.memref_slice %arg3[%dma_start3A_35, %mul3A_2] : memref<1600x16384xf32, #tpu.memory_space<hbm>> -> memref<50x512xf32, #tpu.memory_space<hbm>>
    tpu.enqueue_dma source(%arg4 : memref<50x512xf32, #tpu.memory_space<vmem>>) target(%dma_start3A_36 : memref<50x512xf32, #tpu.memory_space<hbm>>) target_semaphore(%arg5 : memref<!tpu.dma_semaphore, #tpu.memory_space<semaphore_mem>>)
    %dma_wait3A_37 = arith.constant 200 : i32
    %dma_wait3A_38 = tpu.memref_slice %arg3[%dma_wait3A_37, %mul3A_2] : memref<1600x16384xf32, #tpu.memory_space<hbm>> -> memref<50x512xf32, #tpu.memory_space<hbm>>
    %dma_wait3A_39 = arith.constant 200 : i32
    %dma_wait3A_40 = tpu.memref_slice %arg3[%dma_wait3A_39, %mul3A_2] : memref<1600x16384xf32, #tpu.memory_space<hbm>> -> memref<50x512xf32, #tpu.memory_space<hbm>>
    tpu.wait_dma2 semaphore(%arg5 : memref<!tpu.dma_semaphore, #tpu.memory_space<semaphore_mem>>) src(%arg4 : memref<50x512xf32, #tpu.memory_space<vmem>>) dst(%dma_wait3A_40 : memref<50x512xf32, #tpu.memory_space<hbm>>)
    %dma_start3A_41 = arith.constant 250 : i32
    %dma_start3A_42 = tpu.memref_slice %arg3[%dma_start3A_41, %mul3A_2] : memref<1600x16384xf32, #tpu.memory_space<hbm>> -> memref<50x512xf32, #tpu.memory_space<hbm>>
    %dma_start3A_43 = arith.constant 250 : i32
    %dma_start3A_44 = tpu.memref_slice %arg3[%dma_start3A_43, %mul3A_2] : memref<1600x16384xf32, #tpu.memory_space<hbm>> -> memref<50x512xf32, #tpu.memory_space<hbm>>
    tpu.enqueue_dma source(%arg4 : memref<50x512xf32, #tpu.memory_space<vmem>>) target(%dma_start3A_44 : memref<50x512xf32, #tpu.memory_space<hbm>>) target_semaphore(%arg5 : memref<!tpu.dma_semaphore, #tpu.memory_space<semaphore_mem>>)
    %dma_wait3A_45 = arith.constant 250 : i32
    %dma_wait3A_46 = tpu.memref_slice %arg3[%dma_wait3A_45, %mul3A_2] : memref<1600x16384xf32, #tpu.memory_space<hbm>> -> memref<50x512xf32, #tpu.memory_space<hbm>>
    %dma_wait3A_47 = arith.constant 250 : i32
    %dma_wait3A_48 = tpu.memref_slice %arg3[%dma_wait3A_47, %mul3A_2] : memref<1600x16384xf32, #tpu.memory_space<hbm>> -> memref<50x512xf32, #tpu.memory_space<hbm>>
    tpu.wait_dma2 semaphore(%arg5 : memref<!tpu.dma_semaphore, #tpu.memory_space<semaphore_mem>>) src(%arg4 : memref<50x512xf32, #tpu.memory_space<vmem>>) dst(%dma_wait3A_48 : memref<50x512xf32, #tpu.memory_space<hbm>>)
    %dma_start3A_49 = arith.constant 300 : i32
    %dma_start3A_50 = tpu.memref_slice %arg3[%dma_start3A_49, %mul3A_2] : memref<1600x16384xf32, #tpu.memory_space<hbm>> -> memref<50x512xf32, #tpu.memory_space<hbm>>
    %dma_start3A_51 = arith.constant 300 : i32
    %dma_start3A_52 = tpu.memref_slice %arg3[%dma_start3A_51, %mul3A_2] : memref<1600x16384xf32, #tpu.memory_space<hbm>> -> memref<50x512xf32, #tpu.memory_space<hbm>>
    tpu.enqueue_dma source(%arg4 : memref<50x512xf32, #tpu.memory_space<vmem>>) target(%dma_start3A_52 : memref<50x512xf32, #tpu.memory_space<hbm>>) target_semaphore(%arg5 : memref<!tpu.dma_semaphore, #tpu.memory_space<semaphore_mem>>)
    %dma_wait3A_53 = arith.constant 300 : i32
    %dma_wait3A_54 = tpu.memref_slice %arg3[%dma_wait3A_53, %mul3A_2] : memref<1600x16384xf32, #tpu.memory_space<hbm>> -> memref<50x512xf32, #tpu.memory_space<hbm>>
    %dma_wait3A_55 = arith.constant 300 : i32
    %dma_wait3A_56 = tpu.memref_slice %arg3[%dma_wait3A_55, %mul3A_2] : memref<1600x16384xf32, #tpu.memory_space<hbm>> -> memref<50x512xf32, #tpu.memory_space<hbm>>
    tpu.wait_dma2 semaphore(%arg5 : memref<!tpu.dma_semaphore, #tpu.memory_space<semaphore_mem>>) src(%arg4 : memref<50x512xf32, #tpu.memory_space<vmem>>) dst(%dma_wait3A_56 : memref<50x512xf32, #tpu.memory_space<hbm>>)
    %dma_start3A_57 = arith.constant 350 : i32
    %dma_start3A_58 = tpu.memref_slice %arg3[%dma_start3A_57, %mul3A_2] : memref<1600x16384xf32, #tpu.memory_space<hbm>> -> memref<50x512xf32, #tpu.memory_space<hbm>>
    %dma_start3A_59 = arith.constant 350 : i32
    %dma_start3A_60 = tpu.memref_slice %arg3[%dma_start3A_59, %mul3A_2] : memref<1600x16384xf32, #tpu.memory_space<hbm>> -> memref<50x512xf32, #tpu.memory_space<hbm>>
    tpu.enqueue_dma source(%arg4 : memref<50x512xf32, #tpu.memory_space<vmem>>) target(%dma_start3A_60 : memref<50x512xf32, #tpu.memory_space<hbm>>) target_semaphore(%arg5 : memref<!tpu.dma_semaphore, #tpu.memory_space<semaphore_mem>>)
    %dma_wait3A_61 = arith.constant 350 : i32
    %dma_wait3A_62 = tpu.memref_slice %arg3[%dma_wait3A_61, %mul3A_2] : memref<1600x16384xf32, #tpu.memory_space<hbm>> -> memref<50x512xf32, #tpu.memory_space<hbm>>
    %dma_wait3A_63 = arith.constant 350 : i32
    %dma_wait3A_64 = tpu.memref_slice %arg3[%dma_wait3A_63, %mul3A_2] : memref<1600x16384xf32, #tpu.memory_space<hbm>> -> memref<50x512xf32, #tpu.memory_space<hbm>>
    tpu.wait_dma2 semaphore(%arg5 : memref<!tpu.dma_semaphore, #tpu.memory_space<semaphore_mem>>) src(%arg4 : memref<50x512xf32, #tpu.memory_space<vmem>>) dst(%dma_wait3A_64 : memref<50x512xf32, #tpu.memory_space<hbm>>)
    %dma_start3A_65 = arith.constant 400 : i32
    %dma_start3A_66 = tpu.memref_slice %arg3[%dma_start3A_65, %mul3A_2] : memref<1600x16384xf32, #tpu.memory_space<hbm>> -> memref<50x512xf32, #tpu.memory_space<hbm>>
    %dma_start3A_67 = arith.constant 400 : i32
    %dma_start3A_68 = tpu.memref_slice %arg3[%dma_start3A_67, %mul3A_2] : memref<1600x16384xf32, #tpu.memory_space<hbm>> -> memref<50x512xf32, #tpu.memory_space<hbm>>
    tpu.enqueue_dma source(%arg4 : memref<50x512xf32, #tpu.memory_space<vmem>>) target(%dma_start3A_68 : memref<50x512xf32, #tpu.memory_space<hbm>>) target_semaphore(%arg5 : memref<!tpu.dma_semaphore, #tpu.memory_space<semaphore_mem>>)
    %dma_wait3A_69 = arith.constant 400 : i32
    %dma_wait3A_70 = tpu.memref_slice %arg3[%dma_wait3A_69, %mul3A_2] : memref<1600x16384xf32, #tpu.memory_space<hbm>> -> memref<50x512xf32, #tpu.memory_space<hbm>>
    %dma_wait3A_71 = arith.constant 400 : i32
    %dma_wait3A_72 = tpu.memref_slice %arg3[%dma_wait3A_71, %mul3A_2] : memref<1600x16384xf32, #tpu.memory_space<hbm>> -> memref<50x512xf32, #tpu.memory_space<hbm>>
    tpu.wait_dma2 semaphore(%arg5 : memref<!tpu.dma_semaphore, #tpu.memory_space<semaphore_mem>>) src(%arg4 : memref<50x512xf32, #tpu.memory_space<vmem>>) dst(%dma_wait3A_72 : memref<50x512xf32, #tpu.memory_space<hbm>>)
    %dma_start3A_73 = arith.constant 450 : i32
    %dma_start3A_74 = tpu.memref_slice %arg3[%dma_start3A_73, %mul3A_2] : memref<1600x16384xf32, #tpu.memory_space<hbm>> -> memref<50x512xf32, #tpu.memory_space<hbm>>
    %dma_start3A_75 = arith.constant 450 : i32
    %dma_start3A_76 = tpu.memref_slice %arg3[%dma_start3A_75, %mul3A_2] : memref<1600x16384xf32, #tpu.memory_space<hbm>> -> memref<50x512xf32, #tpu.memory_space<hbm>>
    tpu.enqueue_dma source(%arg4 : memref<50x512xf32, #tpu.memory_space<vmem>>) target(%dma_start3A_76 : memref<50x512xf32, #tpu.memory_space<hbm>>) target_semaphore(%arg5 : memref<!tpu.dma_semaphore, #tpu.memory_space<semaphore_mem>>)
    %dma_wait3A_77 = arith.constant 450 : i32
    %dma_wait3A_78 = tpu.memref_slice %arg3[%dma_wait3A_77, %mul3A_2] : memref<1600x16384xf32, #tpu.memory_space<hbm>> -> memref<50x512xf32, #tpu.memory_space<hbm>>
    %dma_wait3A_79 = arith.constant 450 : i32
    %dma_wait3A_80 = tpu.memref_slice %arg3[%dma_wait3A_79, %mul3A_2] : memref<1600x16384xf32, #tpu.memory_space<hbm>> -> memref<50x512xf32, #tpu.memory_space<hbm>>
    tpu.wait_dma2 semaphore(%arg5 : memref<!tpu.dma_semaphore, #tpu.memory_space<semaphore_mem>>) src(%arg4 : memref<50x512xf32, #tpu.memory_space<vmem>>) dst(%dma_wait3A_80 : memref<50x512xf32, #tpu.memory_space<hbm>>)
    %dma_start3A_81 = arith.constant 500 : i32
    %dma_start3A_82 = tpu.memref_slice %arg3[%dma_start3A_81, %mul3A_2] : memref<1600x16384xf32, #tpu.memory_space<hbm>> -> memref<50x512xf32, #tpu.memory_space<hbm>>
    %dma_start3A_83 = arith.constant 500 : i32
    %dma_start3A_84 = tpu.memref_slice %arg3[%dma_start3A_83, %mul3A_2] : memref<1600x16384xf32, #tpu.memory_space<hbm>> -> memref<50x512xf32, #tpu.memory_space<hbm>>
    tpu.enqueue_dma source(%arg4 : memref<50x512xf32, #tpu.memory_space<vmem>>) target(%dma_start3A_84 : memref<50x512xf32, #tpu.memory_space<hbm>>) target_semaphore(%arg5 : memref<!tpu.dma_semaphore, #tpu.memory_space<semaphore_mem>>)
    %dma_wait3A_85 = arith.constant 500 : i32
    %dma_wait3A_86 = tpu.memref_slice %arg3[%dma_wait3A_85, %mul3A_2] : memref<1600x16384xf32, #tpu.memory_space<hbm>> -> memref<50x512xf32, #tpu.memory_space<hbm>>
    %dma_wait3A_87 = arith.constant 500 : i32
    %dma_wait3A_88 = tpu.memref_slice %arg3[%dma_wait3A_87, %mul3A_2] : memref<1600x16384xf32, #tpu.memory_space<hbm>> -> memref<50x512xf32, #tpu.memory_space<hbm>>
    tpu.wait_dma2 semaphore(%arg5 : memref<!tpu.dma_semaphore, #tpu.memory_space<semaphore_mem>>) src(%arg4 : memref<50x512xf32, #tpu.memory_space<vmem>>) dst(%dma_wait3A_88 : memref<50x512xf32, #tpu.memory_space<hbm>>)
    %dma_start3A_89 = arith.constant 550 : i32
    %dma_start3A_90 = tpu.memref_slice %arg3[%dma_start3A_89, %mul3A_2] : memref<1600x16384xf32, #tpu.memory_space<hbm>> -> memref<50x512xf32, #tpu.memory_space<hbm>>
    %dma_start3A_91 = arith.constant 550 : i32
    %dma_start3A_92 = tpu.memref_slice %arg3[%dma_start3A_91, %mul3A_2] : memref<1600x16384xf32, #tpu.memory_space<hbm>> -> memref<50x512xf32, #tpu.memory_space<hbm>>
    tpu.enqueue_dma source(%arg4 : memref<50x512xf32, #tpu.memory_space<vmem>>) target(%dma_start3A_92 : memref<50x512xf32, #tpu.memory_space<hbm>>) target_semaphore(%arg5 : memref<!tpu.dma_semaphore, #tpu.memory_space<semaphore_mem>>)
    %dma_wait3A_93 = arith.constant 550 : i32
    %dma_wait3A_94 = tpu.memref_slice %arg3[%dma_wait3A_93, %mul3A_2] : memref<1600x16384xf32, #tpu.memory_space<hbm>> -> memref<50x512xf32, #tpu.memory_space<hbm>>
    %dma_wait3A_95 = arith.constant 550 : i32
    %dma_wait3A_96 = tpu.memref_slice %arg3[%dma_wait3A_95, %mul3A_2] : memref<1600x16384xf32, #tpu.memory_space<hbm>> -> memref<50x512xf32, #tpu.memory_space<hbm>>
    tpu.wait_dma2 semaphore(%arg5 : memref<!tpu.dma_semaphore, #tpu.memory_space<semaphore_mem>>) src(%arg4 : memref<50x512xf32, #tpu.memory_space<vmem>>) dst(%dma_wait3A_96 : memref<50x512xf32, #tpu.memory_space<hbm>>)
    %dma_start3A_97 = arith.constant 600 : i32
    %dma_start3A_98 = tpu.memref_slice %arg3[%dma_start3A_97, %mul3A_2] : memref<1600x16384xf32, #tpu.memory_space<hbm>> -> memref<50x512xf32, #tpu.memory_space<hbm>>
    %dma_start3A_99 = arith.constant 600 : i32
    %dma_start3A_100 = tpu.memref_slice %arg3[%dma_start3A_99, %mul3A_2] : memref<1600x16384xf32, #tpu.memory_space<hbm>> -> memref<50x512xf32, #tpu.memory_space<hbm>>
    tpu.enqueue_dma source(%arg4 : memref<50x512xf32, #tpu.memory_space<vmem>>) target(%dma_start3A_100 : memref<50x512xf32, #tpu.memory_space<hbm>>) target_semaphore(%arg5 : memref<!tpu.dma_semaphore, #tpu.memory_space<semaphore_mem>>)
    %dma_wait3A_101 = arith.constant 600 : i32
    %dma_wait3A_102 = tpu.memref_slice %arg3[%dma_wait3A_101, %mul3A_2] : memref<1600x16384xf32, #tpu.memory_space<hbm>> -> memref<50x512xf32, #tpu.memory_space<hbm>>
    %dma_wait3A_103 = arith.constant 600 : i32
    %dma_wait3A_104 = tpu.memref_slice %arg3[%dma_wait3A_103, %mul3A_2] : memref<1600x16384xf32, #tpu.memory_space<hbm>> -> memref<50x512xf32, #tpu.memory_space<hbm>>
    tpu.wait_dma2 semaphore(%arg5 : memref<!tpu.dma_semaphore, #tpu.memory_space<semaphore_mem>>) src(%arg4 : memref<50x512xf32, #tpu.memory_space<vmem>>) dst(%dma_wait3A_104 : memref<50x512xf32, #tpu.memory_space<hbm>>)
    %dma_start3A_105 = arith.constant 650 : i32
    %dma_start3A_106 = tpu.memref_slice %arg3[%dma_start3A_105, %mul3A_2] : memref<1600x16384xf32, #tpu.memory_space<hbm>> -> memref<50x512xf32, #tpu.memory_space<hbm>>
    %dma_start3A_107 = arith.constant 650 : i32
    %dma_start3A_108 = tpu.memref_slice %arg3[%dma_start3A_107, %mul3A_2] : memref<1600x16384xf32, #tpu.memory_space<hbm>> -> memref<50x512xf32, #tpu.memory_space<hbm>>
    tpu.enqueue_dma source(%arg4 : memref<50x512xf32, #tpu.memory_space<vmem>>) target(%dma_start3A_108 : memref<50x512xf32, #tpu.memory_space<hbm>>) target_semaphore(%arg5 : memref<!tpu.dma_semaphore, #tpu.memory_space<semaphore_mem>>)
    %dma_wait3A_109 = arith.constant 650 : i32
    %dma_wait3A_110 = tpu.memref_slice %arg3[%dma_wait3A_109, %mul3A_2] : memref<1600x16384xf32, #tpu.memory_space<hbm>> -> memref<50x512xf32, #tpu.memory_space<hbm>>
    %dma_wait3A_111 = arith.constant 650 : i32
    %dma_wait3A_112 = tpu.memref_slice %arg3[%dma_wait3A_111, %mul3A_2] : memref<1600x16384xf32, #tpu.memory_space<hbm>> -> memref<50x512xf32, #tpu.memory_space<hbm>>
    tpu.wait_dma2 semaphore(%arg5 : memref<!tpu.dma_semaphore, #tpu.memory_space<semaphore_mem>>) src(%arg4 : memref<50x512xf32, #tpu.memory_space<vmem>>) dst(%dma_wait3A_112 : memref<50x512xf32, #tpu.memory_space<hbm>>)
    %dma_start3A_113 = arith.constant 700 : i32
    %dma_start3A_114 = tpu.memref_slice %arg3[%dma_start3A_113, %mul3A_2] : memref<1600x16384xf32, #tpu.memory_space<hbm>> -> memref<50x512xf32, #tpu.memory_space<hbm>>
    %dma_start3A_115 = arith.constant 700 : i32
    %dma_start3A_116 = tpu.memref_slice %arg3[%dma_start3A_115, %mul3A_2] : memref<1600x16384xf32, #tpu.memory_space<hbm>> -> memref<50x512xf32, #tpu.memory_space<hbm>>
    tpu.enqueue_dma source(%arg4 : memref<50x512xf32, #tpu.memory_space<vmem>>) target(%dma_start3A_116 : memref<50x512xf32, #tpu.memory_space<hbm>>) target_semaphore(%arg5 : memref<!tpu.dma_semaphore, #tpu.memory_space<semaphore_mem>>)
    %dma_wait3A_117 = arith.constant 700 : i32
    %dma_wait3A_118 = tpu.memref_slice %arg3[%dma_wait3A_117, %mul3A_2] : memref<1600x16384xf32, #tpu.memory_space<hbm>> -> memref<50x512xf32, #tpu.memory_space<hbm>>
    %dma_wait3A_119 = arith.constant 700 : i32
    %dma_wait3A_120 = tpu.memref_slice %arg3[%dma_wait3A_119, %mul3A_2] : memref<1600x16384xf32, #tpu.memory_space<hbm>> -> memref<50x512xf32, #tpu.memory_space<hbm>>
    tpu.wait_dma2 semaphore(%arg5 : memref<!tpu.dma_semaphore, #tpu.memory_space<semaphore_mem>>) src(%arg4 : memref<50x512xf32, #tpu.memory_space<vmem>>) dst(%dma_wait3A_120 : memref<50x512xf32, #tpu.memory_space<hbm>>)
    %dma_start3A_121 = arith.constant 750 : i32
    %dma_start3A_122 = tpu.memref_slice %arg3[%dma_start3A_121, %mul3A_2] : memref<1600x16384xf32, #tpu.memory_space<hbm>> -> memref<50x512xf32, #tpu.memory_space<hbm>>
    %dma_start3A_123 = arith.constant 750 : i32
    %dma_start3A_124 = tpu.memref_slice %arg3[%dma_start3A_123, %mul3A_2] : memref<1600x16384xf32, #tpu.memory_space<hbm>> -> memref<50x512xf32, #tpu.memory_space<hbm>>
    tpu.enqueue_dma source(%arg4 : memref<50x512xf32, #tpu.memory_space<vmem>>) target(%dma_start3A_124 : memref<50x512xf32, #tpu.memory_space<hbm>>) target_semaphore(%arg5 : memref<!tpu.dma_semaphore, #tpu.memory_space<semaphore_mem>>)
    %dma_wait3A_125 = arith.constant 750 : i32
    %dma_wait3A_126 = tpu.memref_slice %arg3[%dma_wait3A_125, %mul3A_2] : memref<1600x16384xf32, #tpu.memory_space<hbm>> -> memref<50x512xf32, #tpu.memory_space<hbm>>
    %dma_wait3A_127 = arith.constant 750 : i32
    %dma_wait3A_128 = tpu.memref_slice %arg3[%dma_wait3A_127, %mul3A_2] : memref<1600x16384xf32, #tpu.memory_space<hbm>> -> memref<50x512xf32, #tpu.memory_space<hbm>>
    tpu.wait_dma2 semaphore(%arg5 : memref<!tpu.dma_semaphore, #tpu.memory_space<semaphore_mem>>) src(%arg4 : memref<50x512xf32, #tpu.memory_space<vmem>>) dst(%dma_wait3A_128 : memref<50x512xf32, #tpu.memory_space<hbm>>)
    %dma_start3A_129 = arith.constant 800 : i32
    %dma_start3A_130 = tpu.memref_slice %arg3[%dma_start3A_129, %mul3A_2] : memref<1600x16384xf32, #tpu.memory_space<hbm>> -> memref<50x512xf32, #tpu.memory_space<hbm>>
    %dma_start3A_131 = arith.constant 800 : i32
    %dma_start3A_132 = tpu.memref_slice %arg3[%dma_start3A_131, %mul3A_2] : memref<1600x16384xf32, #tpu.memory_space<hbm>> -> memref<50x512xf32, #tpu.memory_space<hbm>>
    tpu.enqueue_dma source(%arg4 : memref<50x512xf32, #tpu.memory_space<vmem>>) target(%dma_start3A_132 : memref<50x512xf32, #tpu.memory_space<hbm>>) target_semaphore(%arg5 : memref<!tpu.dma_semaphore, #tpu.memory_space<semaphore_mem>>)
    %dma_wait3A_133 = arith.constant 800 : i32
    %dma_wait3A_134 = tpu.memref_slice %arg3[%dma_wait3A_133, %mul3A_2] : memref<1600x16384xf32, #tpu.memory_space<hbm>> -> memref<50x512xf32, #tpu.memory_space<hbm>>
    %dma_wait3A_135 = arith.constant 800 : i32
    %dma_wait3A_136 = tpu.memref_slice %arg3[%dma_wait3A_135, %mul3A_2] : memref<1600x16384xf32, #tpu.memory_space<hbm>> -> memref<50x512xf32, #tpu.memory_space<hbm>>
    tpu.wait_dma2 semaphore(%arg5 : memref<!tpu.dma_semaphore, #tpu.memory_space<semaphore_mem>>) src(%arg4 : memref<50x512xf32, #tpu.memory_space<vmem>>) dst(%dma_wait3A_136 : memref<50x512xf32, #tpu.memory_space<hbm>>)
    %dma_start3A_137 = arith.constant 850 : i32
    %dma_start3A_138 = tpu.memref_slice %arg3[%dma_start3A_137, %mul3A_2] : memref<1600x16384xf32, #tpu.memory_space<hbm>> -> memref<50x512xf32, #tpu.memory_space<hbm>>
    %dma_start3A_139 = arith.constant 850 : i32
    %dma_start3A_140 = tpu.memref_slice %arg3[%dma_start3A_139, %mul3A_2] : memref<1600x16384xf32, #tpu.memory_space<hbm>> -> memref<50x512xf32, #tpu.memory_space<hbm>>
    tpu.enqueue_dma source(%arg4 : memref<50x512xf32, #tpu.memory_space<vmem>>) target(%dma_start3A_140 : memref<50x512xf32, #tpu.memory_space<hbm>>) target_semaphore(%arg5 : memref<!tpu.dma_semaphore, #tpu.memory_space<semaphore_mem>>)
    %dma_wait3A_141 = arith.constant 850 : i32
    %dma_wait3A_142 = tpu.memref_slice %arg3[%dma_wait3A_141, %mul3A_2] : memref<1600x16384xf32, #tpu.memory_space<hbm>> -> memref<50x512xf32, #tpu.memory_space<hbm>>
    %dma_wait3A_143 = arith.constant 850 : i32
    %dma_wait3A_144 = tpu.memref_slice %arg3[%dma_wait3A_143, %mul3A_2] : memref<1600x16384xf32, #tpu.memory_space<hbm>> -> memref<50x512xf32, #tpu.memory_space<hbm>>
    tpu.wait_dma2 semaphore(%arg5 : memref<!tpu.dma_semaphore, #tpu.memory_space<semaphore_mem>>) src(%arg4 : memref<50x512xf32, #tpu.memory_space<vmem>>) dst(%dma_wait3A_144 : memref<50x512xf32, #tpu.memory_space<hbm>>)
    %dma_start3A_145 = arith.constant 900 : i32
    %dma_start3A_146 = tpu.memref_slice %arg3[%dma_start3A_145, %mul3A_2] : memref<1600x16384xf32, #tpu.memory_space<hbm>> -> memref<50x512xf32, #tpu.memory_space<hbm>>
    %dma_start3A_147 = arith.constant 900 : i32
    %dma_start3A_148 = tpu.memref_slice %arg3[%dma_start3A_147, %mul3A_2] : memref<1600x16384xf32, #tpu.memory_space<hbm>> -> memref<50x512xf32, #tpu.memory_space<hbm>>
    tpu.enqueue_dma source(%arg4 : memref<50x512xf32, #tpu.memory_space<vmem>>) target(%dma_start3A_148 : memref<50x512xf32, #tpu.memory_space<hbm>>) target_semaphore(%arg5 : memref<!tpu.dma_semaphore, #tpu.memory_space<semaphore_mem>>)
    %dma_wait3A_149 = arith.constant 900 : i32
    %dma_wait3A_150 = tpu.memref_slice %arg3[%dma_wait3A_149, %mul3A_2] : memref<1600x16384xf32, #tpu.memory_space<hbm>> -> memref<50x512xf32, #tpu.memory_space<hbm>>
    %dma_wait3A_151 = arith.constant 900 : i32
    %dma_wait3A_152 = tpu.memref_slice %arg3[%dma_wait3A_151, %mul3A_2] : memref<1600x16384xf32, #tpu.memory_space<hbm>> -> memref<50x512xf32, #tpu.memory_space<hbm>>
    tpu.wait_dma2 semaphore(%arg5 : memref<!tpu.dma_semaphore, #tpu.memory_space<semaphore_mem>>) src(%arg4 : memref<50x512xf32, #tpu.memory_space<vmem>>) dst(%dma_wait3A_152 : memref<50x512xf32, #tpu.memory_space<hbm>>)
    %dma_start3A_153 = arith.constant 950 : i32
    %dma_start3A_154 = tpu.memref_slice %arg3[%dma_start3A_153, %mul3A_2] : memref<1600x16384xf32, #tpu.memory_space<hbm>> -> memref<50x512xf32, #tpu.memory_space<hbm>>
    %dma_start3A_155 = arith.constant 950 : i32
    %dma_start3A_156 = tpu.memref_slice %arg3[%dma_start3A_155, %mul3A_2] : memref<1600x16384xf32, #tpu.memory_space<hbm>> -> memref<50x512xf32, #tpu.memory_space<hbm>>
    tpu.enqueue_dma source(%arg4 : memref<50x512xf32, #tpu.memory_space<vmem>>) target(%dma_start3A_156 : memref<50x512xf32, #tpu.memory_space<hbm>>) target_semaphore(%arg5 : memref<!tpu.dma_semaphore, #tpu.memory_space<semaphore_mem>>)
    %dma_wait3A_157 = arith.constant 950 : i32
    %dma_wait3A_158 = tpu.memref_slice %arg3[%dma_wait3A_157, %mul3A_2] : memref<1600x16384xf32, #tpu.memory_space<hbm>> -> memref<50x512xf32, #tpu.memory_space<hbm>>
    %dma_wait3A_159 = arith.constant 950 : i32
    %dma_wait3A_160 = tpu.memref_slice %arg3[%dma_wait3A_159, %mul3A_2] : memref<1600x16384xf32, #tpu.memory_space<hbm>> -> memref<50x512xf32, #tpu.memory_space<hbm>>
    tpu.wait_dma2 semaphore(%arg5 : memref<!tpu.dma_semaphore, #tpu.memory_space<semaphore_mem>>) src(%arg4 : memref<50x512xf32, #tpu.memory_space<vmem>>) dst(%dma_wait3A_160 : memref<50x512xf32, #tpu.memory_space<hbm>>)
    %dma_start3A_161 = arith.constant 1000 : i32
    %dma_start3A_162 = tpu.memref_slice %arg3[%dma_start3A_161, %mul3A_2] : memref<1600x16384xf32, #tpu.memory_space<hbm>> -> memref<50x512xf32, #tpu.memory_space<hbm>>
    %dma_start3A_163 = arith.constant 1000 : i32
    %dma_start3A_164 = tpu.memref_slice %arg3[%dma_start3A_163, %mul3A_2] : memref<1600x16384xf32, #tpu.memory_space<hbm>> -> memref<50x512xf32, #tpu.memory_space<hbm>>
    tpu.enqueue_dma source(%arg4 : memref<50x512xf32, #tpu.memory_space<vmem>>) target(%dma_start3A_164 : memref<50x512xf32, #tpu.memory_space<hbm>>) target_semaphore(%arg5 : memref<!tpu.dma_semaphore, #tpu.memory_space<semaphore_mem>>)
    %dma_wait3A_165 = arith.constant 1000 : i32
    %dma_wait3A_166 = tpu.memref_slice %arg3[%dma_wait3A_165, %mul3A_2] : memref<1600x16384xf32, #tpu.memory_space<hbm>> -> memref<50x512xf32, #tpu.memory_space<hbm>>
    %dma_wait3A_167 = arith.constant 1000 : i32
    %dma_wait3A_168 = tpu.memref_slice %arg3[%dma_wait3A_167, %mul3A_2] : memref<1600x16384xf32, #tpu.memory_space<hbm>> -> memref<50x512xf32, #tpu.memory_space<hbm>>
    tpu.wait_dma2 semaphore(%arg5 : memref<!tpu.dma_semaphore, #tpu.memory_space<semaphore_mem>>) src(%arg4 : memref<50x512xf32, #tpu.memory_space<vmem>>) dst(%dma_wait3A_168 : memref<50x512xf32, #tpu.memory_space<hbm>>)
    %dma_start3A_169 = arith.constant 1050 : i32
    %dma_start3A_170 = tpu.memref_slice %arg3[%dma_start3A_169, %mul3A_2] : memref<1600x16384xf32, #tpu.memory_space<hbm>> -> memref<50x512xf32, #tpu.memory_space<hbm>>
    %dma_start3A_171 = arith.constant 1050 : i32
    %dma_start3A_172 = tpu.memref_slice %arg3[%dma_start3A_171, %mul3A_2] : memref<1600x16384xf32, #tpu.memory_space<hbm>> -> memref<50x512xf32, #tpu.memory_space<hbm>>
    tpu.enqueue_dma source(%arg4 : memref<50x512xf32, #tpu.memory_space<vmem>>) target(%dma_start3A_172 : memref<50x512xf32, #tpu.memory_space<hbm>>) target_semaphore(%arg5 : memref<!tpu.dma_semaphore, #tpu.memory_space<semaphore_mem>>)
    %dma_wait3A_173 = arith.constant 1050 : i32
    %dma_wait3A_174 = tpu.memref_slice %arg3[%dma_wait3A_173, %mul3A_2] : memref<1600x16384xf32, #tpu.memory_space<hbm>> -> memref<50x512xf32, #tpu.memory_space<hbm>>
    %dma_wait3A_175 = arith.constant 1050 : i32
    %dma_wait3A_176 = tpu.memref_slice %arg3[%dma_wait3A_175, %mul3A_2] : memref<1600x16384xf32, #tpu.memory_space<hbm>> -> memref<50x512xf32, #tpu.memory_space<hbm>>
    tpu.wait_dma2 semaphore(%arg5 : memref<!tpu.dma_semaphore, #tpu.memory_space<semaphore_mem>>) src(%arg4 : memref<50x512xf32, #tpu.memory_space<vmem>>) dst(%dma_wait3A_176 : memref<50x512xf32, #tpu.memory_space<hbm>>)
    %dma_start3A_177 = arith.constant 1100 : i32
    %dma_start3A_178 = tpu.memref_slice %arg3[%dma_start3A_177, %mul3A_2] : memref<1600x16384xf32, #tpu.memory_space<hbm>> -> memref<50x512xf32, #tpu.memory_space<hbm>>
    %dma_start3A_179 = arith.constant 1100 : i32
    %dma_start3A_180 = tpu.memref_slice %arg3[%dma_start3A_179, %mul3A_2] : memref<1600x16384xf32, #tpu.memory_space<hbm>> -> memref<50x512xf32, #tpu.memory_space<hbm>>
    tpu.enqueue_dma source(%arg4 : memref<50x512xf32, #tpu.memory_space<vmem>>) target(%dma_start3A_180 : memref<50x512xf32, #tpu.memory_space<hbm>>) target_semaphore(%arg5 : memref<!tpu.dma_semaphore, #tpu.memory_space<semaphore_mem>>)
    %dma_wait3A_181 = arith.constant 1100 : i32
    %dma_wait3A_182 = tpu.memref_slice %arg3[%dma_wait3A_181, %mul3A_2] : memref<1600x16384xf32, #tpu.memory_space<hbm>> -> memref<50x512xf32, #tpu.memory_space<hbm>>
    %dma_wait3A_183 = arith.constant 1100 : i32
    %dma_wait3A_184 = tpu.memref_slice %arg3[%dma_wait3A_183, %mul3A_2] : memref<1600x16384xf32, #tpu.memory_space<hbm>> -> memref<50x512xf32, #tpu.memory_space<hbm>>
    tpu.wait_dma2 semaphore(%arg5 : memref<!tpu.dma_semaphore, #tpu.memory_space<semaphore_mem>>) src(%arg4 : memref<50x512xf32, #tpu.memory_space<vmem>>) dst(%dma_wait3A_184 : memref<50x512xf32, #tpu.memory_space<hbm>>)
    %dma_start3A_185 = arith.constant 1150 : i32
    %dma_start3A_186 = tpu.memref_slice %arg3[%dma_start3A_185, %mul3A_2] : memref<1600x16384xf32, #tpu.memory_space<hbm>> -> memref<50x512xf32, #tpu.memory_space<hbm>>
    %dma_start3A_187 = arith.constant 1150 : i32
    %dma_start3A_188 = tpu.memref_slice %arg3[%dma_start3A_187, %mul3A_2] : memref<1600x16384xf32, #tpu.memory_space<hbm>> -> memref<50x512xf32, #tpu.memory_space<hbm>>
    tpu.enqueue_dma source(%arg4 : memref<50x512xf32, #tpu.memory_space<vmem>>) target(%dma_start3A_188 : memref<50x512xf32, #tpu.memory_space<hbm>>) target_semaphore(%arg5 : memref<!tpu.dma_semaphore, #tpu.memory_space<semaphore_mem>>)
    %dma_wait3A_189 = arith.constant 1150 : i32
    %dma_wait3A_190 = tpu.memref_slice %arg3[%dma_wait3A_189, %mul3A_2] : memref<1600x16384xf32, #tpu.memory_space<hbm>> -> memref<50x512xf32, #tpu.memory_space<hbm>>
    %dma_wait3A_191 = arith.constant 1150 : i32
    %dma_wait3A_192 = tpu.memref_slice %arg3[%dma_wait3A_191, %mul3A_2] : memref<1600x16384xf32, #tpu.memory_space<hbm>> -> memref<50x512xf32, #tpu.memory_space<hbm>>
    tpu.wait_dma2 semaphore(%arg5 : memref<!tpu.dma_semaphore, #tpu.memory_space<semaphore_mem>>) src(%arg4 : memref<50x512xf32, #tpu.memory_space<vmem>>) dst(%dma_wait3A_192 : memref<50x512xf32, #tpu.memory_space<hbm>>)
    %dma_start3A_193 = arith.constant 1200 : i32
    %dma_start3A_194 = tpu.memref_slice %arg3[%dma_start3A_193, %mul3A_2] : memref<1600x16384xf32, #tpu.memory_space<hbm>> -> memref<50x512xf32, #tpu.memory_space<hbm>>
    %dma_start3A_195 = arith.constant 1200 : i32
    %dma_start3A_196 = tpu.memref_slice %arg3[%dma_start3A_195, %mul3A_2] : memref<1600x16384xf32, #tpu.memory_space<hbm>> -> memref<50x512xf32, #tpu.memory_space<hbm>>
    tpu.enqueue_dma source(%arg4 : memref<50x512xf32, #tpu.memory_space<vmem>>) target(%dma_start3A_196 : memref<50x512xf32, #tpu.memory_space<hbm>>) target_semaphore(%arg5 : memref<!tpu.dma_semaphore, #tpu.memory_space<semaphore_mem>>)
    %dma_wait3A_197 = arith.constant 1200 : i32
    %dma_wait3A_198 = tpu.memref_slice %arg3[%dma_wait3A_197, %mul3A_2] : memref<1600x16384xf32, #tpu.memory_space<hbm>> -> memref<50x512xf32, #tpu.memory_space<hbm>>
    %dma_wait3A_199 = arith.constant 1200 : i32
    %dma_wait3A_200 = tpu.memref_slice %arg3[%dma_wait3A_199, %mul3A_2] : memref<1600x16384xf32, #tpu.memory_space<hbm>> -> memref<50x512xf32, #tpu.memory_space<hbm>>
    tpu.wait_dma2 semaphore(%arg5 : memref<!tpu.dma_semaphore, #tpu.memory_space<semaphore_mem>>) src(%arg4 : memref<50x512xf32, #tpu.memory_space<vmem>>) dst(%dma_wait3A_200 : memref<50x512xf32, #tpu.memory_space<hbm>>)
    %dma_start3A_201 = arith.constant 1250 : i32
    %dma_start3A_202 = tpu.memref_slice %arg3[%dma_start3A_201, %mul3A_2] : memref<1600x16384xf32, #tpu.memory_space<hbm>> -> memref<50x512xf32, #tpu.memory_space<hbm>>
    %dma_start3A_203 = arith.constant 1250 : i32
    %dma_start3A_204 = tpu.memref_slice %arg3[%dma_start3A_203, %mul3A_2] : memref<1600x16384xf32, #tpu.memory_space<hbm>> -> memref<50x512xf32, #tpu.memory_space<hbm>>
    tpu.enqueue_dma source(%arg4 : memref<50x512xf32, #tpu.memory_space<vmem>>) target(%dma_start3A_204 : memref<50x512xf32, #tpu.memory_space<hbm>>) target_semaphore(%arg5 : memref<!tpu.dma_semaphore, #tpu.memory_space<semaphore_mem>>)
    %dma_wait3A_205 = arith.constant 1250 : i32
    %dma_wait3A_206 = tpu.memref_slice %arg3[%dma_wait3A_205, %mul3A_2] : memref<1600x16384xf32, #tpu.memory_space<hbm>> -> memref<50x512xf32, #tpu.memory_space<hbm>>
    %dma_wait3A_207 = arith.constant 1250 : i32
    %dma_wait3A_208 = tpu.memref_slice %arg3[%dma_wait3A_207, %mul3A_2] : memref<1600x16384xf32, #tpu.memory_space<hbm>> -> memref<50x512xf32, #tpu.memory_space<hbm>>
    tpu.wait_dma2 semaphore(%arg5 : memref<!tpu.dma_semaphore, #tpu.memory_space<semaphore_mem>>) src(%arg4 : memref<50x512xf32, #tpu.memory_space<vmem>>) dst(%dma_wait3A_208 : memref<50x512xf32, #tpu.memory_space<hbm>>)
    %dma_start3A_209 = arith.constant 1300 : i32
    %dma_start3A_210 = tpu.memref_slice %arg3[%dma_start3A_209, %mul3A_2] : memref<1600x16384xf32, #tpu.memory_space<hbm>> -> memref<50x512xf32, #tpu.memory_space<hbm>>
    %dma_start3A_211 = arith.constant 1300 : i32
    %dma_start3A_212 = tpu.memref_slice %arg3[%dma_start3A_211, %mul3A_2] : memref<1600x16384xf32, #tpu.memory_space<hbm>> -> memref<50x512xf32, #tpu.memory_space<hbm>>
    tpu.enqueue_dma source(%arg4 : memref<50x512xf32, #tpu.memory_space<vmem>>) target(%dma_start3A_212 : memref<50x512xf32, #tpu.memory_space<hbm>>) target_semaphore(%arg5 : memref<!tpu.dma_semaphore, #tpu.memory_space<semaphore_mem>>)
    %dma_wait3A_213 = arith.constant 1300 : i32
    %dma_wait3A_214 = tpu.memref_slice %arg3[%dma_wait3A_213, %mul3A_2] : memref<1600x16384xf32, #tpu.memory_space<hbm>> -> memref<50x512xf32, #tpu.memory_space<hbm>>
    %dma_wait3A_215 = arith.constant 1300 : i32
    %dma_wait3A_216 = tpu.memref_slice %arg3[%dma_wait3A_215, %mul3A_2] : memref<1600x16384xf32, #tpu.memory_space<hbm>> -> memref<50x512xf32, #tpu.memory_space<hbm>>
    tpu.wait_dma2 semaphore(%arg5 : memref<!tpu.dma_semaphore, #tpu.memory_space<semaphore_mem>>) src(%arg4 : memref<50x512xf32, #tpu.memory_space<vmem>>) dst(%dma_wait3A_216 : memref<50x512xf32, #tpu.memory_space<hbm>>)
    %dma_start3A_217 = arith.constant 1350 : i32
    %dma_start3A_218 = tpu.memref_slice %arg3[%dma_start3A_217, %mul3A_2] : memref<1600x16384xf32, #tpu.memory_space<hbm>> -> memref<50x512xf32, #tpu.memory_space<hbm>>
    %dma_start3A_219 = arith.constant 1350 : i32
    %dma_start3A_220 = tpu.memref_slice %arg3[%dma_start3A_219, %mul3A_2] : memref<1600x16384xf32, #tpu.memory_space<hbm>> -> memref<50x512xf32, #tpu.memory_space<hbm>>
    tpu.enqueue_dma source(%arg4 : memref<50x512xf32, #tpu.memory_space<vmem>>) target(%dma_start3A_220 : memref<50x512xf32, #tpu.memory_space<hbm>>) target_semaphore(%arg5 : memref<!tpu.dma_semaphore, #tpu.memory_space<semaphore_mem>>)
    %dma_wait3A_221 = arith.constant 1350 : i32
    %dma_wait3A_222 = tpu.memref_slice %arg3[%dma_wait3A_221, %mul3A_2] : memref<1600x16384xf32, #tpu.memory_space<hbm>> -> memref<50x512xf32, #tpu.memory_space<hbm>>
    %dma_wait3A_223 = arith.constant 1350 : i32
    %dma_wait3A_224 = tpu.memref_slice %arg3[%dma_wait3A_223, %mul3A_2] : memref<1600x16384xf32, #tpu.memory_space<hbm>> -> memref<50x512xf32, #tpu.memory_space<hbm>>
    tpu.wait_dma2 semaphore(%arg5 : memref<!tpu.dma_semaphore, #tpu.memory_space<semaphore_mem>>) src(%arg4 : memref<50x512xf32, #tpu.memory_space<vmem>>) dst(%dma_wait3A_224 : memref<50x512xf32, #tpu.memory_space<hbm>>)
    %dma_start3A_225 = arith.constant 1400 : i32
    %dma_start3A_226 = tpu.memref_slice %arg3[%dma_start3A_225, %mul3A_2] : memref<1600x16384xf32, #tpu.memory_space<hbm>> -> memref<50x512xf32, #tpu.memory_space<hbm>>
    %dma_start3A_227 = arith.constant 1400 : i32
    %dma_start3A_228 = tpu.memref_slice %arg3[%dma_start3A_227, %mul3A_2] : memref<1600x16384xf32, #tpu.memory_space<hbm>> -> memref<50x512xf32, #tpu.memory_space<hbm>>
    tpu.enqueue_dma source(%arg4 : memref<50x512xf32, #tpu.memory_space<vmem>>) target(%dma_start3A_228 : memref<50x512xf32, #tpu.memory_space<hbm>>) target_semaphore(%arg5 : memref<!tpu.dma_semaphore, #tpu.memory_space<semaphore_mem>>)
    %dma_wait3A_229 = arith.constant 1400 : i32
    %dma_wait3A_230 = tpu.memref_slice %arg3[%dma_wait3A_229, %mul3A_2] : memref<1600x16384xf32, #tpu.memory_space<hbm>> -> memref<50x512xf32, #tpu.memory_space<hbm>>
    %dma_wait3A_231 = arith.constant 1400 : i32
    %dma_wait3A_232 = tpu.memref_slice %arg3[%dma_wait3A_231, %mul3A_2] : memref<1600x16384xf32, #tpu.memory_space<hbm>> -> memref<50x512xf32, #tpu.memory_space<hbm>>
    tpu.wait_dma2 semaphore(%arg5 : memref<!tpu.dma_semaphore, #tpu.memory_space<semaphore_mem>>) src(%arg4 : memref<50x512xf32, #tpu.memory_space<vmem>>) dst(%dma_wait3A_232 : memref<50x512xf32, #tpu.memory_space<hbm>>)
    %dma_start3A_233 = arith.constant 1450 : i32
    %dma_start3A_234 = tpu.memref_slice %arg3[%dma_start3A_233, %mul3A_2] : memref<1600x16384xf32, #tpu.memory_space<hbm>> -> memref<50x512xf32, #tpu.memory_space<hbm>>
    %dma_start3A_235 = arith.constant 1450 : i32
    %dma_start3A_236 = tpu.memref_slice %arg3[%dma_start3A_235, %mul3A_2] : memref<1600x16384xf32, #tpu.memory_space<hbm>> -> memref<50x512xf32, #tpu.memory_space<hbm>>
    tpu.enqueue_dma source(%arg4 : memref<50x512xf32, #tpu.memory_space<vmem>>) target(%dma_start3A_236 : memref<50x512xf32, #tpu.memory_space<hbm>>) target_semaphore(%arg5 : memref<!tpu.dma_semaphore, #tpu.memory_space<semaphore_mem>>)
    %dma_wait3A_237 = arith.constant 1450 : i32
    %dma_wait3A_238 = tpu.memref_slice %arg3[%dma_wait3A_237, %mul3A_2] : memref<1600x16384xf32, #tpu.memory_space<hbm>> -> memref<50x512xf32, #tpu.memory_space<hbm>>
    %dma_wait3A_239 = arith.constant 1450 : i32
    %dma_wait3A_240 = tpu.memref_slice %arg3[%dma_wait3A_239, %mul3A_2] : memref<1600x16384xf32, #tpu.memory_space<hbm>> -> memref<50x512xf32, #tpu.memory_space<hbm>>
    tpu.wait_dma2 semaphore(%arg5 : memref<!tpu.dma_semaphore, #tpu.memory_space<semaphore_mem>>) src(%arg4 : memref<50x512xf32, #tpu.memory_space<vmem>>) dst(%dma_wait3A_240 : memref<50x512xf32, #tpu.memory_space<hbm>>)
    %dma_start3A_241 = arith.constant 1500 : i32
    %dma_start3A_242 = tpu.memref_slice %arg3[%dma_start3A_241, %mul3A_2] : memref<1600x16384xf32, #tpu.memory_space<hbm>> -> memref<50x512xf32, #tpu.memory_space<hbm>>
    %dma_start3A_243 = arith.constant 1500 : i32
    %dma_start3A_244 = tpu.memref_slice %arg3[%dma_start3A_243, %mul3A_2] : memref<1600x16384xf32, #tpu.memory_space<hbm>> -> memref<50x512xf32, #tpu.memory_space<hbm>>
    tpu.enqueue_dma source(%arg4 : memref<50x512xf32, #tpu.memory_space<vmem>>) target(%dma_start3A_244 : memref<50x512xf32, #tpu.memory_space<hbm>>) target_semaphore(%arg5 : memref<!tpu.dma_semaphore, #tpu.memory_space<semaphore_mem>>)
    %dma_wait3A_245 = arith.constant 1500 : i32
    %dma_wait3A_246 = tpu.memref_slice %arg3[%dma_wait3A_245, %mul3A_2] : memref<1600x16384xf32, #tpu.memory_space<hbm>> -> memref<50x512xf32, #tpu.memory_space<hbm>>
    %dma_wait3A_247 = arith.constant 1500 : i32
    %dma_wait3A_248 = tpu.memref_slice %arg3[%dma_wait3A_247, %mul3A_2] : memref<1600x16384xf32, #tpu.memory_space<hbm>> -> memref<50x512xf32, #tpu.memory_space<hbm>>
    tpu.wait_dma2 semaphore(%arg5 : memref<!tpu.dma_semaphore, #tpu.memory_space<semaphore_mem>>) src(%arg4 : memref<50x512xf32, #tpu.memory_space<vmem>>) dst(%dma_wait3A_248 : memref<50x512xf32, #tpu.memory_space<hbm>>)
    %dma_start3A_249 = arith.constant 1550 : i32
    %dma_start3A_250 = tpu.memref_slice %arg3[%dma_start3A_249, %mul3A_2] : memref<1600x16384xf32, #tpu.memory_space<hbm>> -> memref<50x512xf32, #tpu.memory_space<hbm>>
    %dma_start3A_251 = arith.constant 1550 : i32
    %dma_start3A_252 = tpu.memref_slice %arg3[%dma_start3A_251, %mul3A_2] : memref<1600x16384xf32, #tpu.memory_space<hbm>> -> memref<50x512xf32, #tpu.memory_space<hbm>>
    tpu.enqueue_dma source(%arg4 : memref<50x512xf32, #tpu.memory_space<vmem>>) target(%dma_start3A_252 : memref<50x512xf32, #tpu.memory_space<hbm>>) target_semaphore(%arg5 : memref<!tpu.dma_semaphore, #tpu.memory_space<semaphore_mem>>)
    %dma_wait3A_253 = arith.constant 1550 : i32
    %dma_wait3A_254 = tpu.memref_slice %arg3[%dma_wait3A_253, %mul3A_2] : memref<1600x16384xf32, #tpu.memory_space<hbm>> -> memref<50x512xf32, #tpu.memory_space<hbm>>
    %dma_wait3A_255 = arith.constant 1550 : i32
    %dma_wait3A_256 = tpu.memref_slice %arg3[%dma_wait3A_255, %mul3A_2] : memref<1600x16384xf32, #tpu.memory_space<hbm>> -> memref<50x512xf32, #tpu.memory_space<hbm>>
    tpu.wait_dma2 semaphore(%arg5 : memref<!tpu.dma_semaphore, #tpu.memory_space<semaphore_mem>>) src(%arg4 : memref<50x512xf32, #tpu.memory_space<vmem>>) dst(%dma_wait3A_256 : memref<50x512xf32, #tpu.memory_space<hbm>>)
    return
  }
}

</mosaic_0001>

<sc_bundles>
// kernel: kernel.3.cloned.1.call-start
scs
__scs_entry_jumppad:
0x0: {  	(pc) =	sbr.rel $0x88, $3  }
0x1: {  	(tag) =	ssettag $0x0;
	lr =	simm.s32 $0x1  }
0x2: {  	[smem:$0x3FA0] =	sst lr;
	_ =	strace $0xD0000000  }
0x3: {  	_ = 	snop  }
0x4: {  	_ = 	snop  }
0x5: {  	_ = 	snop  }
0x6: {  	_ = 	snop  }
0x7: {  	_ = 	snop  }
__scs_overlays_trampoline_lowered:
0x8: {  	[smem:$0x3FAF] =	sst s0  }
0x9: {  	[smem:$0x3FB0] =	sst s1  }
0xa: {  	[smem:$0x3FB1] =	sst s2  }
0xb: {  	[smem:$0x3FB2] =	sst s3  }
0xc: {  	[smem:$0x3FB3] =	sst s4  }
0xd: {  	[smem:$0x3FB4] =	sst s5  }
0xe: {  	[smem:$0x3FB5] =	sst s6  }
0xf: {  	[smem:$0x3FB6] =	sst s7  }
0x10: {  	[smem:$0x3FB7] =	sst s8  }
0x11: {  	[smem:$0x3FB8] =	sst s9;
	s0 =	simm.s32 @!p0 $0x0  }
0x12: {  	s1 =	sld [smem:$0x3F9E];
	s0 =	simm.s32 @p0 $0x1  }
0x13: {  	[smem:$0x3FB9] =	sst s0;
	s0 =	simm.s32 @!p1 $0x0  }
0x14: {  	s2 =	sld [smem:$0x3F9D];
	s0 =	simm.s32 @p1 $0x1  }
0x15: {  	[smem:$0x3FBA] =	sst s0;
	s0 =	simm.s32 @!p2 $0x0  }
0x16: {  	s3 =	sld [smem:$0x3FDB];
	s0 =	simm.s32 @p2 $0x1  }
0x17: {  	s4 =	simm.s32 $0x1BF5;
	[smem:$0x3FBC] =	sst s0  }
0x18: {  	s0 =	sld [smem:$0x3F9F];
	_ =	swait.ge [sflag:s4], $0x0  }
0x19: {  	s7 =	sld [smem:$0x3FA0]  }
0x1a: {  	s8 =	sadd.s32 $0xFFFFE003, lr  }
0x1b: {  	s9 =	sadd.s32 $0xFFFFFEF7, lr;
	s5 =	simm.s32 $0xFFFFFFFF;
	p2 =	slt.u32 s8, $0xFFFFF086  }
0x1c: {  	p1 =	slt.u32 s9, $0xF7A;
	s5 =	simm.s32 @!p2 $0x0  }
0x1d: {  	s5 =	simm.s32 @p1 $0x1;
	p0 =	seq.s32 s7, s2  }
0x1e: {  	s7 =	smul.u32 @!p0 $0xF7A, s2;
	p2 =	seq.s32 @!p0 s5, $0x0  }
0x1f: {  	s9 =	smul.u32 $0xF7A, s1;
	s8 =	simm.s32 @!p0 $0x1BF5;
	p2 =	por !p2, p0  }
0x20: {  	[sflag:s8] =	ssyncset.s32 @!p0 $0xFFFFF086;
	s6 =	sadd.s32 @!p0 s3, s7;
	s7 =	simm.s32 @!p0 $0x108  }
0x21: {  	s3 =	sadd.s32 s3, s9;
	s6 =	sadd.s32 @!p0 $0x88, s6;
	s7 =	simm.s32 @p2 $0x1082  }
0x22: {  	[simem:s7], [sflag:s8] =	dma.local @!p0 [hbm:s6], $0xF7A  }
0x23: {  	s9 =	sor.u32 $0xD0000000, s2;
	s6 =	simm.s32 $0x108;
	_ =	swait.ge @!p0 [sflag:s8], $0x0  }
0x24: {  	s3 =	sadd.s32 $0x88, s3;
	s6 =	simm.s32 @!p1 $0x1082;
	[sflag:s4] =	ssyncset.s32 $0xFFFFF086  }
0x25: {  	[simem:s6], [sflag:s4] =	dma.local [hbm:s3], $0xF7A  }
0x26: {  	[smem:$0x3FA0] =	sst s1;
	(tag) =	ssettag s2;
	_ =	strace s9  }
0x27: {  	s1 =	sld [smem:$0x3FB0]  }
0x28: {  	s2 =	sld [smem:$0x3FB1]  }
0x29: {  	s4 =	sld [smem:$0x3FB3]  }
0x2a: {  	p0 =	seq.s32 s5, $0x0;
	s5 =	sld [smem:$0x3FB4]  }
0x2b: {  	s6 =	sld [smem:$0x3FB5]  }
0x2c: {  	s7 =	sld [smem:$0x3FB6]  }
0x2d: {  	s3 =	simm.s32 $0x108;
	s8 =	sld [smem:$0x3FB7]  }
0x2e: {  	s3 =	simm.s32 @!p0 $0x1082;
	s9 =	sld [smem:$0x3FB8]  }
0x2f: {  	lr =	sadd.s32 s0, s3;
	s0 =	sld [smem:$0x3FAF]  }
0x30: {  	s3 =	sld [smem:$0x3FB2]  }
0x31: {  	[smem:$0x3FBB] =	sst s10  }
0x32: {  	s10 =	sld [smem:$0x3FB9];
	_ =	sdelay $0x3  }
0x33: {  	p0 =	seq.s32 s10, $0x1;
	s10 =	sld [smem:$0x3FBB];
	_ =	sdelay $0x3  }
0x34: {  	[smem:$0x3FBB] =	sst s10  }
0x35: {  	s10 =	sld [smem:$0x3FBA];
	_ =	sdelay $0x3  }
0x36: {  	p1 =	seq.s32 s10, $0x1;
	s10 =	sld [smem:$0x3FBB];
	_ =	sdelay $0x3  }
0x37: {  	[smem:$0x3FBB] =	sst s10  }
0x38: {  	s10 =	sld [smem:$0x3FBC]  }
0x39: {  	_ = 	snop;
	(pc) =	sbr.ind lr, $3  }
0x3a: {  	_ = 	snop  }
0x3b: {  	_ = 	snop  }
0x3c: {  	p2 =	seq.s32 s10, $0x1;
	s10 =	sld [smem:$0x3FBB]  }
0x3d: {  	_ =	shalt  }
0x3e: {  	_ =	shalt  }
0x3f: {  	_ =	shalt  }
0x40: {  	_ =	shalt  }
0x41: {  	_ =	shalt  }
0x42: {  	_ =	shalt  }
0x43: {  	_ =	shalt  }
0x44: {  	_ =	shalt  }
0x45: {  	_ =	shalt  }
0x46: {  	_ =	shalt  }
0x47: {  	_ =	shalt  }
0x48: {  	_ =	shalt  }
0x49: {  	_ =	shalt  }
0x4a: {  	_ =	shalt  }
0x4b: {  	_ =	shalt  }
0x4c: {  	_ =	shalt  }
0x4d: {  	_ =	shalt  }
0x4e: {  	_ =	shalt  }
0x4f: {  	_ =	shalt  }
0x50: {  	_ =	shalt  }
0x51: {  	_ =	shalt  }
0x52: {  	_ =	shalt  }
0x53: {  	_ =	shalt  }
0x54: {  	_ =	shalt  }
0x55: {  	_ =	shalt  }
0x56: {  	_ =	shalt  }
0x57: {  	_ =	shalt  }
0x58: {  	_ =	shalt  }
0x59: {  	_ =	shalt  }
0x5a: {  	_ =	shalt  }
0x5b: {  	_ =	shalt  }
0x5c: {  	_ =	shalt  }
0x5d: {  	_ =	shalt  }
0x5e: {  	_ =	shalt  }
0x5f: {  	_ =	shalt  }
0x60: {  	_ =	shalt  }
0x61: {  	_ =	shalt  }
0x62: {  	_ =	shalt  }
0x63: {  	_ =	shalt  }
0x64: {  	_ =	shalt  }
0x65: {  	_ =	shalt  }
0x66: {  	_ =	shalt  }
0x67: {  	_ =	shalt  }
0x68: {  	_ =	shalt  }
0x69: {  	_ =	shalt  }
0x6a: {  	_ =	shalt  }
0x6b: {  	_ =	shalt  }
0x6c: {  	_ =	shalt  }
0x6d: {  	_ =	shalt  }
0x6e: {  	_ =	shalt  }
0x6f: {  	_ =	shalt  }
0x70: {  	_ =	shalt  }
0x71: {  	_ =	shalt  }
0x72: {  	_ =	shalt  }
0x73: {  	_ =	shalt  }
0x74: {  	_ =	shalt  }
0x75: {  	_ =	shalt  }
0x76: {  	_ =	shalt  }
0x77: {  	_ =	shalt  }
0x78: {  	_ =	shalt  }
0x79: {  	_ =	shalt  }
0x7a: {  	_ =	shalt  }
0x7b: {  	_ =	shalt  }
0x7c: {  	_ =	shalt  }
0x7d: {  	_ =	shalt  }
0x7e: {  	_ =	shalt  }
0x7f: {  	_ =	shalt  }
0x80: {  	_ =	shalt  }
0x81: {  	_ =	shalt  }
0x82: {  	_ =	shalt  }
0x83: {  	_ =	shalt  }
0x84: {  	_ =	shalt  }
0x85: {  	_ =	shalt  }
0x86: {  	_ =	shalt  }
0x87: {  	_ =	shalt  }
.Lfunc_end0:
.L_simem_size_0:
called_computation_lowered:
.L_overlay_start_0:
0x88: {  	s2 =	sld [smem:$0x3FD9]  }
0x89: {  	s3 =	sld [smem:$0x3FFE];
	_ =	sdelay $0x1  }
0x8a: {  	s1 =	srdreg.scid  }
0x8b: {  	s0 =	sand.u32 $0x1, s1  }
0x8c: {  	s16 =	sshll.u32 s0, $0xA;
	s2 =	sadd.s32 s3, s2  }
0x8d: {  	s2 =	sadd.s32 s2, s16  }
0x8e: {  	[smem:$0x3FC7] =	sst s2  }
0x8f: {  	_ = 	snop  }
0x90: {  	(tm) =	ssettm $0x1  }
0x91: {  	s17 =	sld [smem:$0x3FFB];
	_ =	sdelay $0x3  }
0x92: {  	_ =	strace s17  }
0x93: {  	s2 =	sld [smem:$0x3FFC];
	_ =	sdelay $0x3  }
0x94: {  	_ =	strace s2  }
0x95: {  	s2 =	sld [smem:$0x3FFD];
	_ =	sdelay $0x3  }
0x96: {  	_ =	strace s2  }
0x97: {  	_ =	strace $0x8FFFFFFF  }
0x98: {  	s18 =	sld [smem:$0x3FDB];
	_ =	sdelay $0x1  }
0x99: {  	s19 =	simm.s32 $_scs_section_size  }
0x9a: {  	s4 =	simm.s32 $_size__tile_overlayer_lowered;
	s5 =	simm.s32 $_tile_overlayer_lowered  }
0x9b: {  	s22 =	simm.s32 $0x1BFF;
	s21 =	sshll.u32 s5, $0x1;
	s2 =	sadd.s32 s19, s18  }
0x9c: {  	s6 =	simm.s32 $0x0;
	s20 =	sshll.u32 s4, $0x1;
	s4 =	sadd.s32 s21, s2  }
0x9d: {  	[timem:s6], [sflag:s22] =	dma.local [hbm:s4], s20  }
0x9e: {  	_ =	swait.ge [sflag:s22], s20  }
0x9f: {  	s3 =	ssub.s32 $0x0, s20;
	[sflag:s22] =	ssyncset.done $0x0  }
0xa0: {  	[sflag:s22] =	ssyncadd.s32 s3;
	_ =	sdelay $0x1  }
0xa1: {  	s23 =	simm.s32 $0x1B8B  }
0xa2: {  	_ =	swait.ge [sflag:s23], $0x1  }
0xa3: {  	[sflag:s23] =	ssyncset.done $0x0  }
0xa4: {  	s25 =	simm.s32 $0x1B8E;
	s24 =	sld [smem:$0x3FFE];
	[sflag:s23] =	ssyncadd.s32 $0xFFFFFFFF  }
0xa5: {  	s26 =	simm.s32 $execute0_lowered;
	[smem:$0x3FD2] =	sst s25  }
0xa6: {  	s4 =	sshll.u32 s26, $0x1;
	_ =	strace $0x80000046;
	[dreg:$0x1] =	wrdreg $0xFFFFFFFF  }
0xa7: {  	s28 =	simm.s32 $_size_execute0_lowered;
	s2 =	sadd.s32 s2, s4;
	[dreg:$0x0] =	wrdreg $0x0  }
0xa8: {  	s4 =	sshll.u32 s28, $0x1;
	[dreg:$0x2] =	wrdreg s2  }
0xa9: {  	[dreg:$0x3] =	wrdreg s4  }
0xaa: {  	[dreg:$0x4] =	wrdreg $0xC0  }
0xab: {  	_ =	task [dreg:s6], $0x5FFFF  }
0xac: {  	[dreg:$0x1] =	wrdreg $0xFFFFFFFF  }
0xad: {  	[dreg:$0x0] =	wrdreg $0x60  }
0xae: {  	[dreg:$0x2] =	wrdreg s24  }
0xaf: {  	[dreg:$0x3] =	wrdreg $0x9  }
0xb0: {  	_ =	task.clear_ibuf [dreg:s6], $0x4FFFF;
	_ =	strace $0x90000046  }
0xb1: {  	s29 =	simm.s32 $0x9;
	_ =	strace $0x80000048  }
0xb2: {  	_ =	swait.ge [sflag:s29], $0x1  }
0xb3: {  	[sflag:s29] =	ssyncadd.s32 $0xFFFFFFFF  }
0xb4: {  	_ =	strace $0x90000048  }
0xb5: {  	_ =	sfence  }
0xb6: {  	s30 =	sld [smem:$0x0];
	_ =	sdelay $0x2  }
0xb7: {  	s31 =	sshll.u32 s1, $0xD;
	s1 =	sshrl.u32 s1, $0x2  }
0xb8: {  	s3 =	sand.u32 $0x4000, s31;
	s1 =	sadd.s32 s1, s30  }
0xb9: {  	s0 =	sor.u32 s3, s0;
	s1 =	sshll.u32 s1, $0x11  }
0xba: {  	s0 =	sor.u32 s1, s0  }
0xbb: {  	s0 =	sadd.s32 $0x8F2B, s0  }
0xbc: {  	[sflag:s0] =	ssyncadd.remote.s32 $0x1  }
0xbd: {  	_ =	sfence.sel $0xFFFF  }
0xbe: {  	[dreg:$0x0] =	wrdreg $0xFFFFFFFF;
	(pc) =	sbr.abs _section_cstart, $3  }
0xbf: {  	[dreg:$0x1] =	wrdreg $0xFFFFFFFF  }
0xc0: {  	_ =	task.clear_ibuf [dreg:s6], $0x2FFFF;
	_ =	strace $0x9FFFFFFF  }
0xc1: {  	(tm) =	ssettm $0x7FFFFFFF  }
tec
execute0_lowered:
.L_overlay_start_1:
0x0: {  	(tag) =	ssettag $0x1  }
0x1: {  	s1 =	srdreg.scid  }
0x2: {  	s0 =	stileid.u32;
	s1 =	sand.u32 $0x1, s1  }
0x3: {  	s4 =	sshll.u32 s0, $0x7;
	s5 =	sshll.u32 s1, $0x6  }
0x4: {  	s3 =	rddreg [dreg:$0x0];
	s4 =	sor.u32 s5, s4  }
0x5: {  	s2 =	simm.s32 $0x0;
	s31 =	sadd.s32 s4, s3  }
0x6: {  	[smem:$0x7FF] =	sst s2;
	s3 =	sadd.s32 $0x400, s31  }
0x7: {  	_ =	strace $0x80000047;
	s15 =	sadd.s32 $0x19400, s31;
	[dreg:$0x2] =	wrdreg s3  }
0x8: {  	s16 =	sadd.s32 $0x32400, s31;
	[dreg:$0x3] =	wrdreg s15  }
0x9: {  	s17 =	sadd.s32 $0x4B400, s31;
	[dreg:$0x4] =	wrdreg s16  }
0xa: {  	s18 =	sadd.s32 $0x64400, s31;
	[dreg:$0x5] =	wrdreg s17  }
0xb: {  	s19 =	sadd.s32 $0x7D400, s31;
	[dreg:$0x6] =	wrdreg s18  }
0xc: {  	s20 =	sadd.s32 $0x96400, s31;
	[dreg:$0x7] =	wrdreg s19  }
0xd: {  	s5 =	simm.s32 $0x4000;
	[dreg:$0x8] =	wrdreg s20  }
0xe: {  	s4 =	simm.s32 $0x200;
	s3 =	simm.s32 $0x1;
	s6 =	rddreg [dreg:$0x2]  }
0xf: {  	[hbm4b:s6+s4] =	stream.strided.scatter [tilespmem:s2], [sflag:$0x1], $0x6400, s5, s4, $0x38;
	[tilespmem:$0x6400] =	vst v63  }
0x10: {  	_ =	swait.ge [sflag:s3], $0x6400  }
0x11: {  	[sflag:s3] =	ssyncset.done $0x0  }
0x12: {  	s21 =	rddreg [dreg:$0x3];
	[sflag:s3] =	ssyncadd.s32 $0xFFFF9C00  }
0x13: {  	[hbm4b:s21+s4] =	stream.strided.scatter [tilespmem:s2], [sflag:$0x1], $0x6400, s5, s4, $0x38;
	[tilespmem:$0x6400] =	vst v63  }
0x14: {  	_ =	swait.ge [sflag:s3], $0x6400  }
0x15: {  	[sflag:s3] =	ssyncset.done $0x0  }
0x16: {  	s22 =	rddreg [dreg:$0x4];
	[sflag:s3] =	ssyncadd.s32 $0xFFFF9C00  }
0x17: {  	[hbm4b:s22+s4] =	stream.strided.scatter [tilespmem:s2], [sflag:$0x1], $0x6400, s5, s4, $0x38;
	[tilespmem:$0x6400] =	vst v63  }
0x18: {  	_ =	swait.ge [sflag:s3], $0x6400  }
0x19: {  	[sflag:s3] =	ssyncset.done $0x0  }
0x1a: {  	s23 =	rddreg [dreg:$0x5];
	[sflag:s3] =	ssyncadd.s32 $0xFFFF9C00  }
0x1b: {  	[hbm4b:s23+s4] =	stream.strided.scatter [tilespmem:s2], [sflag:$0x1], $0x6400, s5, s4, $0x38;
	[tilespmem:$0x6400] =	vst v63  }
0x1c: {  	_ =	swait.ge [sflag:s3], $0x6400  }
0x1d: {  	[sflag:s3] =	ssyncset.done $0x0  }
0x1e: {  	s24 =	rddreg [dreg:$0x6];
	[sflag:s3] =	ssyncadd.s32 $0xFFFF9C00  }
0x1f: {  	[hbm4b:s24+s4] =	stream.strided.scatter [tilespmem:s2], [sflag:$0x1], $0x6400, s5, s4, $0x38;
	[tilespmem:$0x6400] =	vst v63  }
0x20: {  	_ =	swait.ge [sflag:s3], $0x6400  }
0x21: {  	[sflag:s3] =	ssyncset.done $0x0  }
0x22: {  	s25 =	rddreg [dreg:$0x7];
	[sflag:s3] =	ssyncadd.s32 $0xFFFF9C00  }
0x23: {  	[hbm4b:s25+s4] =	stream.strided.scatter [tilespmem:s2], [sflag:$0x1], $0x6400, s5, s4, $0x38;
	[tilespmem:$0x6400] =	vst v63  }
0x24: {  	_ =	swait.ge [sflag:s3], $0x6400  }
0x25: {  	[sflag:s3] =	ssyncset.done $0x0  }
0x26: {  	s26 =	rddreg [dreg:$0x8];
	[sflag:s3] =	ssyncadd.s32 $0xFFFF9C00  }
0x27: {  	[hbm4b:s26+s4] =	stream.strided.scatter [tilespmem:s2], [sflag:$0x1], $0x6400, s5, s4, $0x38;
	[tilespmem:$0x6400] =	vst v63  }
0x28: {  	_ =	swait.ge [sflag:s3], $0x6400  }
0x29: {  	[sflag:s3] =	ssyncset.done $0x0  }
0x2a: {  	s6 =	sadd.s32 $0xAF400, s31;
	[sflag:s3] =	ssyncadd.s32 $0xFFFF9C00  }
0x2b: {  	[hbm4b:s6+s4] =	stream.strided.scatter [tilespmem:s2], [sflag:$0x1], $0x6400, s5, s4, $0x38;
	[tilespmem:$0x6400] =	vst v63  }
0x2c: {  	_ =	swait.ge [sflag:s3], $0x6400  }
0x2d: {  	[sflag:s3] =	ssyncset.done $0x0  }
0x2e: {  	s7 =	sadd.s32 $0xC8400, s31;
	[sflag:s3] =	ssyncadd.s32 $0xFFFF9C00  }
0x2f: {  	[hbm4b:s7+s4] =	stream.strided.scatter [tilespmem:s2], [sflag:$0x1], $0x6400, s5, s4, $0x38;
	[tilespmem:$0x6400] =	vst v63  }
0x30: {  	_ =	swait.ge [sflag:s3], $0x6400  }
0x31: {  	[sflag:s3] =	ssyncset.done $0x0  }
0x32: {  	s8 =	sadd.s32 $0xE1400, s31;
	[sflag:s3] =	ssyncadd.s32 $0xFFFF9C00  }
0x33: {  	[hbm4b:s8+s4] =	stream.strided.scatter [tilespmem:s2], [sflag:$0x1], $0x6400, s5, s4, $0x38;
	[tilespmem:$0x6400] =	vst v63  }
0x34: {  	_ =	swait.ge [sflag:s3], $0x6400  }
0x35: {  	[sflag:s3] =	ssyncset.done $0x0  }
0x36: {  	s9 =	sadd.s32 $0xFA400, s31;
	[sflag:s3] =	ssyncadd.s32 $0xFFFF9C00  }
0x37: {  	[hbm4b:s9+s4] =	stream.strided.scatter [tilespmem:s2], [sflag:$0x1], $0x6400, s5, s4, $0x38;
	[tilespmem:$0x6400] =	vst v63  }
0x38: {  	_ =	swait.ge [sflag:s3], $0x6400  }
0x39: {  	[sflag:s3] =	ssyncset.done $0x0  }
0x3a: {  	s10 =	sadd.s32 $0x113400, s31;
	[sflag:s3] =	ssyncadd.s32 $0xFFFF9C00  }
0x3b: {  	[hbm4b:s10+s4] =	stream.strided.scatter [tilespmem:s2], [sflag:$0x1], $0x6400, s5, s4, $0x38;
	[tilespmem:$0x6400] =	vst v63  }
0x3c: {  	_ =	swait.ge [sflag:s3], $0x6400  }
0x3d: {  	[sflag:s3] =	ssyncset.done $0x0  }
0x3e: {  	s11 =	sadd.s32 $0x12C400, s31;
	[sflag:s3] =	ssyncadd.s32 $0xFFFF9C00  }
0x3f: {  	[hbm4b:s11+s4] =	stream.strided.scatter [tilespmem:s2], [sflag:$0x1], $0x6400, s5, s4, $0x38;
	[tilespmem:$0x6400] =	vst v63  }
0x40: {  	_ =	swait.ge [sflag:s3], $0x6400  }
0x41: {  	[sflag:s3] =	ssyncset.done $0x0  }
0x42: {  	s12 =	sadd.s32 $0x145400, s31;
	[sflag:s3] =	ssyncadd.s32 $0xFFFF9C00  }
0x43: {  	[hbm4b:s12+s4] =	stream.strided.scatter [tilespmem:s2], [sflag:$0x1], $0x6400, s5, s4, $0x38;
	[tilespmem:$0x6400] =	vst v63  }
0x44: {  	_ =	swait.ge [sflag:s3], $0x6400  }
0x45: {  	[sflag:s3] =	ssyncset.done $0x0  }
0x46: {  	s13 =	sadd.s32 $0x15E400, s31;
	[sflag:s3] =	ssyncadd.s32 $0xFFFF9C00  }
0x47: {  	[hbm4b:s13+s4] =	stream.strided.scatter [tilespmem:s2], [sflag:$0x1], $0x6400, s5, s4, $0x38;
	[tilespmem:$0x6400] =	vst v63  }
0x48: {  	_ =	swait.ge [sflag:s3], $0x6400  }
0x49: {  	[sflag:s3] =	ssyncset.done $0x0  }
0x4a: {  	s14 =	sadd.s32 $0x177400, s31;
	[sflag:s3] =	ssyncadd.s32 $0xFFFF9C00  }
0x4b: {  	[hbm4b:s14+s4] =	stream.strided.scatter [tilespmem:s2], [sflag:$0x1], $0x6400, s5, s4, $0x38;
	[tilespmem:$0x6400] =	vst v63  }
0x4c: {  	_ =	swait.ge [sflag:s3], $0x6400  }
0x4d: {  	[sflag:s3] =	ssyncset.done $0x0  }
0x4e: {  	s15 =	sadd.s32 $0x190400, s31;
	[sflag:s3] =	ssyncadd.s32 $0xFFFF9C00  }
0x4f: {  	[hbm4b:s15+s4] =	stream.strided.scatter [tilespmem:s2], [sflag:$0x1], $0x6400, s5, s4, $0x38;
	[tilespmem:$0x6400] =	vst v63  }
0x50: {  	_ =	swait.ge [sflag:s3], $0x6400  }
0x51: {  	[sflag:s3] =	ssyncset.done $0x0  }
0x52: {  	s16 =	sadd.s32 $0x1A9400, s31;
	[sflag:s3] =	ssyncadd.s32 $0xFFFF9C00  }
0x53: {  	[hbm4b:s16+s4] =	stream.strided.scatter [tilespmem:s2], [sflag:$0x1], $0x6400, s5, s4, $0x38;
	[tilespmem:$0x6400] =	vst v63  }
0x54: {  	_ =	swait.ge [sflag:s3], $0x6400  }
0x55: {  	[sflag:s3] =	ssyncset.done $0x0  }
0x56: {  	s17 =	sadd.s32 $0x1C2400, s31;
	[sflag:s3] =	ssyncadd.s32 $0xFFFF9C00  }
0x57: {  	[hbm4b:s17+s4] =	stream.strided.scatter [tilespmem:s2], [sflag:$0x1], $0x6400, s5, s4, $0x38;
	[tilespmem:$0x6400] =	vst v63  }
0x58: {  	_ =	swait.ge [sflag:s3], $0x6400  }
0x59: {  	[sflag:s3] =	ssyncset.done $0x0  }
0x5a: {  	s18 =	sadd.s32 $0x1DB400, s31;
	[sflag:s3] =	ssyncadd.s32 $0xFFFF9C00  }
0x5b: {  	[hbm4b:s18+s4] =	stream.strided.scatter [tilespmem:s2], [sflag:$0x1], $0x6400, s5, s4, $0x38;
	[tilespmem:$0x6400] =	vst v63  }
0x5c: {  	_ =	swait.ge [sflag:s3], $0x6400  }
0x5d: {  	[sflag:s3] =	ssyncset.done $0x0  }
0x5e: {  	s19 =	sadd.s32 $0x1F4400, s31;
	[sflag:s3] =	ssyncadd.s32 $0xFFFF9C00  }
0x5f: {  	[hbm4b:s19+s4] =	stream.strided.scatter [tilespmem:s2], [sflag:$0x1], $0x6400, s5, s4, $0x38;
	[tilespmem:$0x6400] =	vst v63  }
0x60: {  	_ =	swait.ge [sflag:s3], $0x6400  }
0x61: {  	[sflag:s3] =	ssyncset.done $0x0  }
0x62: {  	s20 =	sadd.s32 $0x20D400, s31;
	[sflag:s3] =	ssyncadd.s32 $0xFFFF9C00  }
0x63: {  	[hbm4b:s20+s4] =	stream.strided.scatter [tilespmem:s2], [sflag:$0x1], $0x6400, s5, s4, $0x38;
	[tilespmem:$0x6400] =	vst v63  }
0x64: {  	_ =	swait.ge [sflag:s3], $0x6400  }
0x65: {  	[sflag:s3] =	ssyncset.done $0x0  }
0x66: {  	s21 =	sadd.s32 $0x226400, s31;
	[sflag:s3] =	ssyncadd.s32 $0xFFFF9C00  }
0x67: {  	[hbm4b:s21+s4] =	stream.strided.scatter [tilespmem:s2], [sflag:$0x1], $0x6400, s5, s4, $0x38;
	[tilespmem:$0x6400] =	vst v63  }
0x68: {  	_ =	swait.ge [sflag:s3], $0x6400  }
0x69: {  	[sflag:s3] =	ssyncset.done $0x0  }
0x6a: {  	s22 =	sadd.s32 $0x23F400, s31;
	[sflag:s3] =	ssyncadd.s32 $0xFFFF9C00  }
0x6b: {  	[hbm4b:s22+s4] =	stream.strided.scatter [tilespmem:s2], [sflag:$0x1], $0x6400, s5, s4, $0x38;
	[tilespmem:$0x6400] =	vst v63  }
0x6c: {  	_ =	swait.ge [sflag:s3], $0x6400  }
0x6d: {  	[sflag:s3] =	ssyncset.done $0x0  }
0x6e: {  	s23 =	sadd.s32 $0x258400, s31;
	[sflag:s3] =	ssyncadd.s32 $0xFFFF9C00  }
0x6f: {  	[hbm4b:s23+s4] =	stream.strided.scatter [tilespmem:s2], [sflag:$0x1], $0x6400, s5, s4, $0x38;
	[tilespmem:$0x6400] =	vst v63  }
0x70: {  	_ =	swait.ge [sflag:s3], $0x6400  }
0x71: {  	[sflag:s3] =	ssyncset.done $0x0  }
0x72: {  	s24 =	sadd.s32 $0x271400, s31;
	[sflag:s3] =	ssyncadd.s32 $0xFFFF9C00  }
0x73: {  	[hbm4b:s24+s4] =	stream.strided.scatter [tilespmem:s2], [sflag:$0x1], $0x6400, s5, s4, $0x38;
	[tilespmem:$0x6400] =	vst v63  }
0x74: {  	_ =	swait.ge [sflag:s3], $0x6400  }
0x75: {  	[sflag:s3] =	ssyncset.done $0x0  }
0x76: {  	s25 =	sadd.s32 $0x28A400, s31;
	[sflag:s3] =	ssyncadd.s32 $0xFFFF9C00  }
0x77: {  	[hbm4b:s25+s4] =	stream.strided.scatter [tilespmem:s2], [sflag:$0x1], $0x6400, s5, s4, $0x38;
	[tilespmem:$0x6400] =	vst v63  }
0x78: {  	_ =	swait.ge [sflag:s3], $0x6400  }
0x79: {  	[sflag:s3] =	ssyncset.done $0x0  }
0x7a: {  	s26 =	sadd.s32 $0x2A3400, s31;
	[sflag:s3] =	ssyncadd.s32 $0xFFFF9C00  }
0x7b: {  	[hbm4b:s26+s4] =	stream.strided.scatter [tilespmem:s2], [sflag:$0x1], $0x6400, s5, s4, $0x38;
	[tilespmem:$0x6400] =	vst v63  }
0x7c: {  	_ =	swait.ge [sflag:s3], $0x6400  }
0x7d: {  	[sflag:s3] =	ssyncset.done $0x0  }
0x7e: {  	s28 =	sadd.s32 $0x2BC400, s31;
	[sflag:s3] =	ssyncadd.s32 $0xFFFF9C00  }
0x7f: {  	[hbm4b:s28+s4] =	stream.strided.scatter [tilespmem:s2], [sflag:$0x1], $0x6400, s5, s4, $0x38;
	[tilespmem:$0x6400] =	vst v63  }
0x80: {  	_ =	swait.ge [sflag:s3], $0x6400  }
0x81: {  	s1 =	ssub.s32 $0x2, s1;
	[sflag:s3] =	ssyncset.done $0x0  }
0x82: {  	s0 =	sshrl.u32 s1, $0x1;
	s29 =	sadd.s32 $0x2D5400, s31;
	[sflag:s3] =	ssyncadd.s32 $0xFFFF9C00  }
0x83: {  	[hbm4b:s29+s4] =	stream.strided.scatter [tilespmem:s2], [sflag:$0x1], $0x6400, s5, s4, $0x38;
	[tilespmem:$0x6400] =	vst v63  }
0x84: {  	s0 =	ssub.s32 s1, s0;
	_ =	swait.ge [sflag:s3], $0x6400  }
0x85: {  	s0 =	smax.u32 s0, $0x1;
	[sflag:s3] =	ssyncset.done $0x0  }
0x86: {  	s30 =	sadd.s32 $0x2EE400, s31;
	p0 =	sne.s32 s0, $0x1;
	[sflag:s3] =	ssyncadd.s32 $0xFFFF9C00  }
0x87: {  	[hbm4b:s30+s4] =	stream.strided.scatter [tilespmem:s2], [sflag:$0x1], $0x6400, s5, s4, $0x38;
	[tilespmem:$0x6400] =	vst v63  }
.Ltmp0:
0x88: {  	_ =	swait.ge [sflag:s3], $0x6400;
	(pc) =	sbr.rel @!p0 .LBB2_2-.Ltmp0, $4  }
0x89: {  	[sflag:s3] =	ssyncset.done $0x0  }
0x8a: {  	s31 =	sadd.s32 $0x307400, s31;
	[sflag:s3] =	ssyncadd.s32 $0xFFFF9C00  }
0x8b: {  	[hbm4b:s31+s4] =	stream.strided.scatter [tilespmem:s2], [sflag:$0x1], $0x6400, s5, s4, $0x38;
	[tilespmem:$0x6400] =	vst v63  }
0x8c: {  	s1 =	sadd.s32 $0xFFFFFFFF, s0;
	_ =	swait.ge [sflag:s3], $0x6400  }
.LBB2_1:
0x8d: {  	[sflag:s3] =	ssyncset.done $0x0  }
0x8e: {  	s0 =	rddreg [dreg:$0x2];
	[sflag:s3] =	ssyncadd.s32 $0xFFFF9C00  }
0x8f: {  	[hbm4b:s0+s4] =	stream.strided.scatter [tilespmem:s2], [sflag:$0x1], $0x6400, s5, s4, $0x38;
	[tilespmem:$0x6400] =	vst v63  }
0x90: {  	_ =	swait.ge [sflag:s3], $0x6400  }
0x91: {  	[sflag:s3] =	ssyncset.done $0x0  }
0x92: {  	s0 =	rddreg [dreg:$0x3];
	[sflag:s3] =	ssyncadd.s32 $0xFFFF9C00  }
0x93: {  	[hbm4b:s0+s4] =	stream.strided.scatter [tilespmem:s2], [sflag:$0x1], $0x6400, s5, s4, $0x38;
	[tilespmem:$0x6400] =	vst v63  }
0x94: {  	_ =	swait.ge [sflag:s3], $0x6400  }
0x95: {  	[sflag:s3] =	ssyncset.done $0x0  }
0x96: {  	s0 =	rddreg [dreg:$0x4];
	[sflag:s3] =	ssyncadd.s32 $0xFFFF9C00  }
0x97: {  	[hbm4b:s0+s4] =	stream.strided.scatter [tilespmem:s2], [sflag:$0x1], $0x6400, s5, s4, $0x38;
	[tilespmem:$0x6400] =	vst v63  }
0x98: {  	_ =	swait.ge [sflag:s3], $0x6400  }
0x99: {  	[sflag:s3] =	ssyncset.done $0x0  }
0x9a: {  	s0 =	rddreg [dreg:$0x5];
	[sflag:s3] =	ssyncadd.s32 $0xFFFF9C00  }
0x9b: {  	[hbm4b:s0+s4] =	stream.strided.scatter [tilespmem:s2], [sflag:$0x1], $0x6400, s5, s4, $0x38;
	[tilespmem:$0x6400] =	vst v63  }
0x9c: {  	_ =	swait.ge [sflag:s3], $0x6400  }
0x9d: {  	[sflag:s3] =	ssyncset.done $0x0  }
0x9e: {  	s0 =	rddreg [dreg:$0x6];
	[sflag:s3] =	ssyncadd.s32 $0xFFFF9C00  }
0x9f: {  	[hbm4b:s0+s4] =	stream.strided.scatter [tilespmem:s2], [sflag:$0x1], $0x6400, s5, s4, $0x38;
	[tilespmem:$0x6400] =	vst v63  }
0xa0: {  	_ =	swait.ge [sflag:s3], $0x6400  }
0xa1: {  	[sflag:s3] =	ssyncset.done $0x0  }
0xa2: {  	s0 =	rddreg [dreg:$0x7];
	[sflag:s3] =	ssyncadd.s32 $0xFFFF9C00  }
0xa3: {  	[hbm4b:s0+s4] =	stream.strided.scatter [tilespmem:s2], [sflag:$0x1], $0x6400, s5, s4, $0x38;
	[tilespmem:$0x6400] =	vst v63  }
0xa4: {  	_ =	swait.ge [sflag:s3], $0x6400  }
0xa5: {  	[sflag:s3] =	ssyncset.done $0x0  }
0xa6: {  	s0 =	rddreg [dreg:$0x8];
	[sflag:s3] =	ssyncadd.s32 $0xFFFF9C00  }
0xa7: {  	[hbm4b:s0+s4] =	stream.strided.scatter [tilespmem:s2], [sflag:$0x1], $0x6400, s5, s4, $0x38;
	[tilespmem:$0x6400] =	vst v63  }
0xa8: {  	_ =	swait.ge [sflag:s3], $0x6400  }
0xa9: {  	[sflag:s3] =	ssyncset.done $0x0  }
0xaa: {  	[sflag:s3] =	ssyncadd.s32 $0xFFFF9C00  }
0xab: {  	[hbm4b:s6+s4] =	stream.strided.scatter [tilespmem:s2], [sflag:$0x1], $0x6400, s5, s4, $0x38;
	[tilespmem:$0x6400] =	vst v63  }
0xac: {  	_ =	swait.ge [sflag:s3], $0x6400  }
0xad: {  	[sflag:s3] =	ssyncset.done $0x0  }
0xae: {  	[sflag:s3] =	ssyncadd.s32 $0xFFFF9C00  }
0xaf: {  	[hbm4b:s7+s4] =	stream.strided.scatter [tilespmem:s2], [sflag:$0x1], $0x6400, s5, s4, $0x38;
	[tilespmem:$0x6400] =	vst v63  }
0xb0: {  	_ =	swait.ge [sflag:s3], $0x6400  }
0xb1: {  	[sflag:s3] =	ssyncset.done $0x0  }
0xb2: {  	[sflag:s3] =	ssyncadd.s32 $0xFFFF9C00  }
0xb3: {  	[hbm4b:s8+s4] =	stream.strided.scatter [tilespmem:s2], [sflag:$0x1], $0x6400, s5, s4, $0x38;
	[tilespmem:$0x6400] =	vst v63  }
0xb4: {  	_ =	swait.ge [sflag:s3], $0x6400  }
0xb5: {  	[sflag:s3] =	ssyncset.done $0x0  }
0xb6: {  	[sflag:s3] =	ssyncadd.s32 $0xFFFF9C00  }
0xb7: {  	[hbm4b:s9+s4] =	stream.strided.scatter [tilespmem:s2], [sflag:$0x1], $0x6400, s5, s4, $0x38;
	[tilespmem:$0x6400] =	vst v63  }
0xb8: {  	_ =	swait.ge [sflag:s3], $0x6400  }
0xb9: {  	[sflag:s3] =	ssyncset.done $0x0  }
0xba: {  	[sflag:s3] =	ssyncadd.s32 $0xFFFF9C00  }
0xbb: {  	[hbm4b:s10+s4] =	stream.strided.scatter [tilespmem:s2], [sflag:$0x1], $0x6400, s5, s4, $0x38;
	[tilespmem:$0x6400] =	vst v63  }
0xbc: {  	_ =	swait.ge [sflag:s3], $0x6400  }
0xbd: {  	[sflag:s3] =	ssyncset.done $0x0  }
0xbe: {  	[sflag:s3] =	ssyncadd.s32 $0xFFFF9C00  }
0xbf: {  	[hbm4b:s11+s4] =	stream.strided.scatter [tilespmem:s2], [sflag:$0x1], $0x6400, s5, s4, $0x38;
	[tilespmem:$0x6400] =	vst v63  }
0xc0: {  	_ =	swait.ge [sflag:s3], $0x6400  }
0xc1: {  	[sflag:s3] =	ssyncset.done $0x0  }
0xc2: {  	[sflag:s3] =	ssyncadd.s32 $0xFFFF9C00  }
0xc3: {  	[hbm4b:s12+s4] =	stream.strided.scatter [tilespmem:s2], [sflag:$0x1], $0x6400, s5, s4, $0x38;
	[tilespmem:$0x6400] =	vst v63  }
0xc4: {  	_ =	swait.ge [sflag:s3], $0x6400  }
0xc5: {  	[sflag:s3] =	ssyncset.done $0x0  }
0xc6: {  	[sflag:s3] =	ssyncadd.s32 $0xFFFF9C00  }
0xc7: {  	[hbm4b:s13+s4] =	stream.strided.scatter [tilespmem:s2], [sflag:$0x1], $0x6400, s5, s4, $0x38;
	[tilespmem:$0x6400] =	vst v63  }
0xc8: {  	_ =	swait.ge [sflag:s3], $0x6400  }
0xc9: {  	[sflag:s3] =	ssyncset.done $0x0  }
0xca: {  	[sflag:s3] =	ssyncadd.s32 $0xFFFF9C00  }
0xcb: {  	[hbm4b:s14+s4] =	stream.strided.scatter [tilespmem:s2], [sflag:$0x1], $0x6400, s5, s4, $0x38;
	[tilespmem:$0x6400] =	vst v63  }
0xcc: {  	_ =	swait.ge [sflag:s3], $0x6400  }
0xcd: {  	[sflag:s3] =	ssyncset.done $0x0  }
0xce: {  	[sflag:s3] =	ssyncadd.s32 $0xFFFF9C00  }
0xcf: {  	[hbm4b:s15+s4] =	stream.strided.scatter [tilespmem:s2], [sflag:$0x1], $0x6400, s5, s4, $0x38;
	[tilespmem:$0x6400] =	vst v63  }
0xd0: {  	_ =	swait.ge [sflag:s3], $0x6400  }
0xd1: {  	[sflag:s3] =	ssyncset.done $0x0  }
0xd2: {  	[sflag:s3] =	ssyncadd.s32 $0xFFFF9C00  }
0xd3: {  	[hbm4b:s16+s4] =	stream.strided.scatter [tilespmem:s2], [sflag:$0x1], $0x6400, s5, s4, $0x38;
	[tilespmem:$0x6400] =	vst v63  }
0xd4: {  	_ =	swait.ge [sflag:s3], $0x6400  }
0xd5: {  	[sflag:s3] =	ssyncset.done $0x0  }
0xd6: {  	[sflag:s3] =	ssyncadd.s32 $0xFFFF9C00  }
0xd7: {  	[hbm4b:s17+s4] =	stream.strided.scatter [tilespmem:s2], [sflag:$0x1], $0x6400, s5, s4, $0x38;
	[tilespmem:$0x6400] =	vst v63  }
0xd8: {  	_ =	swait.ge [sflag:s3], $0x6400  }
0xd9: {  	[sflag:s3] =	ssyncset.done $0x0  }
0xda: {  	[sflag:s3] =	ssyncadd.s32 $0xFFFF9C00  }
0xdb: {  	[hbm4b:s18+s4] =	stream.strided.scatter [tilespmem:s2], [sflag:$0x1], $0x6400, s5, s4, $0x38;
	[tilespmem:$0x6400] =	vst v63  }
0xdc: {  	_ =	swait.ge [sflag:s3], $0x6400  }
0xdd: {  	[sflag:s3] =	ssyncset.done $0x0  }
0xde: {  	[sflag:s3] =	ssyncadd.s32 $0xFFFF9C00  }
0xdf: {  	[hbm4b:s19+s4] =	stream.strided.scatter [tilespmem:s2], [sflag:$0x1], $0x6400, s5, s4, $0x38;
	[tilespmem:$0x6400] =	vst v63  }
0xe0: {  	_ =	swait.ge [sflag:s3], $0x6400  }
0xe1: {  	[sflag:s3] =	ssyncset.done $0x0  }
0xe2: {  	[sflag:s3] =	ssyncadd.s32 $0xFFFF9C00  }
0xe3: {  	[hbm4b:s20+s4] =	stream.strided.scatter [tilespmem:s2], [sflag:$0x1], $0x6400, s5, s4, $0x38;
	[tilespmem:$0x6400] =	vst v63  }
0xe4: {  	_ =	swait.ge [sflag:s3], $0x6400  }
0xe5: {  	[sflag:s3] =	ssyncset.done $0x0  }
0xe6: {  	[sflag:s3] =	ssyncadd.s32 $0xFFFF9C00  }
0xe7: {  	[hbm4b:s21+s4] =	stream.strided.scatter [tilespmem:s2], [sflag:$0x1], $0x6400, s5, s4, $0x38;
	[tilespmem:$0x6400] =	vst v63  }
0xe8: {  	_ =	swait.ge [sflag:s3], $0x6400  }
0xe9: {  	[sflag:s3] =	ssyncset.done $0x0  }
0xea: {  	[sflag:s3] =	ssyncadd.s32 $0xFFFF9C00  }
0xeb: {  	[hbm4b:s22+s4] =	stream.strided.scatter [tilespmem:s2], [sflag:$0x1], $0x6400, s5, s4, $0x38;
	[tilespmem:$0x6400] =	vst v63  }
0xec: {  	_ =	swait.ge [sflag:s3], $0x6400  }
0xed: {  	[sflag:s3] =	ssyncset.done $0x0  }
0xee: {  	[sflag:s3] =	ssyncadd.s32 $0xFFFF9C00  }
0xef: {  	[hbm4b:s23+s4] =	stream.strided.scatter [tilespmem:s2], [sflag:$0x1], $0x6400, s5, s4, $0x38;
	[tilespmem:$0x6400] =	vst v63  }
0xf0: {  	_ =	swait.ge [sflag:s3], $0x6400  }
0xf1: {  	[sflag:s3] =	ssyncset.done $0x0  }
0xf2: {  	[sflag:s3] =	ssyncadd.s32 $0xFFFF9C00  }
0xf3: {  	[hbm4b:s24+s4] =	stream.strided.scatter [tilespmem:s2], [sflag:$0x1], $0x6400, s5, s4, $0x38;
	[tilespmem:$0x6400] =	vst v63  }
0xf4: {  	_ =	swait.ge [sflag:s3], $0x6400  }
0xf5: {  	[sflag:s3] =	ssyncset.done $0x0  }
0xf6: {  	[sflag:s3] =	ssyncadd.s32 $0xFFFF9C00  }
0xf7: {  	[hbm4b:s25+s4] =	stream.strided.scatter [tilespmem:s2], [sflag:$0x1], $0x6400, s5, s4, $0x38;
	[tilespmem:$0x6400] =	vst v63  }
0xf8: {  	_ =	swait.ge [sflag:s3], $0x6400  }
0xf9: {  	[sflag:s3] =	ssyncset.done $0x0  }
0xfa: {  	[sflag:s3] =	ssyncadd.s32 $0xFFFF9C00  }
0xfb: {  	[hbm4b:s26+s4] =	stream.strided.scatter [tilespmem:s2], [sflag:$0x1], $0x6400, s5, s4, $0x38;
	[tilespmem:$0x6400] =	vst v63  }
0xfc: {  	_ =	swait.ge [sflag:s3], $0x6400  }
0xfd: {  	[sflag:s3] =	ssyncset.done $0x0  }
0xfe: {  	[sflag:s3] =	ssyncadd.s32 $0xFFFF9C00  }
0xff: {  	[hbm4b:s28+s4] =	stream.strided.scatter [tilespmem:s2], [sflag:$0x1], $0x6400, s5, s4, $0x38;
	[tilespmem:$0x6400] =	vst v63  }
0x100: {  	_ =	swait.ge [sflag:s3], $0x6400  }
0x101: {  	[sflag:s3] =	ssyncset.done $0x0  }
0x102: {  	[sflag:s3] =	ssyncadd.s32 $0xFFFF9C00  }
0x103: {  	[hbm4b:s29+s4] =	stream.strided.scatter [tilespmem:s2], [sflag:$0x1], $0x6400, s5, s4, $0x38;
	[tilespmem:$0x6400] =	vst v63  }
0x104: {  	_ =	swait.ge [sflag:s3], $0x6400  }
0x105: {  	[sflag:s3] =	ssyncset.done $0x0  }
0x106: {  	p0 =	sne.s32 s1, $0x1;
	[sflag:s3] =	ssyncadd.s32 $0xFFFF9C00  }
0x107: {  	[hbm4b:s30+s4] =	stream.strided.scatter [tilespmem:s2], [sflag:$0x1], $0x6400, s5, s4, $0x38;
	[tilespmem:$0x6400] =	vst v63  }
.Ltmp1:
0x108: {  	_ =	swait.ge [sflag:s3], $0x6400;
	(pc) =	sbr.rel @p0 .LBB2_1-.Ltmp1, $4  }
0x109: {  	[sflag:s3] =	ssyncset.done $0x0  }
0x10a: {  	[sflag:s3] =	ssyncadd.s32 $0xFFFF9C00  }
0x10b: {  	[hbm4b:s31+s4] =	stream.strided.scatter [tilespmem:s2], [sflag:$0x1], $0x6400, s5, s4, $0x38;
	[tilespmem:$0x6400] =	vst v63  }
0x10c: {  	s1 =	sadd.s32 $0xFFFFFFFF, s1;
	_ =	swait.ge [sflag:s3], $0x6400  }
.LBB2_2:
0x10d: {  	[sflag:s3] =	ssyncset.done $0x0  }
0x10e: {  	[sflag:s3] =	ssyncadd.s32 $0xFFFF9C00  }
0x10f: {  	_ =	sfence.sel $0x180000  }
0x110: {  	[bflag:$0x0] =	sbarrier.arrive $0xFFFF  }
0x111: {  	_ =	strace $0x90000047  }
0x112: {  	s0 =	stileid.u32;
	[bflag:$0x2] =	sbarrier.arrive $0xFFFF  }
0x113: {  	p0 =	sne.s32 s0, $0x0;
	s0 =	rddreg [dreg:$0x1]  }
0x114: {  	s0 =	sadd.s32 @!p0 $0x100000, s0  }
0x115: {  	[sflag:s0] =	ssyncadd.tile.s32 @!p0 $0x1;
	_ =	shalt  }
.Lfunc_end2:
_tile_overlayer_lowered:
.L_overlay_start_2:
0x116: {  	(tag) =	ssettag $0x2  }
0x117: {  	s0 =	rddreg [dreg:$0x0];
	s2 =	stileid.u32  }
0x118: {  	s1 =	rddreg [dreg:$0x1];
	p0 =	sne.s32 s2, $0x0  }
0x119: {  	s3 =	rddreg [dreg:$0x2];
	[bflag:$0x3] =	sbarrier.arrive $0xFFFF;
	s2 =	simm.s32 @!p0 $0x1C02  }
0x11a: {  	[timem:s3], [sflag:s2] =	dma.local @!p0 [hbm:s0], s1  }
0x11b: {  	s0 =	simm.s32 @!p0 $0x2  }
0x11c: {  	_ =	swait.ge @!p0 [sflag:s0], s1  }
0x11d: {  	s1 =	ssub.s32 @!p0 $0x0, s1;
	[sflag:s0] =	ssyncset.done @!p0 $0x0  }
0x11e: {  	[sflag:s0] =	ssyncadd.s32 @!p0 s1  }
0x11f: {  	[bflag:$0x3] =	sbarrier.arrive $0xFFFF  }
0x120: {  	_ =	shalt  }

</sc_bundles>
